<compile_context>
chip_gen: v7x
topology: tpu7x:2x2x1
jax: 0.10.2.dev20260603
libtpu: 0.0.44.dev20260713+nightly
codegen_flags: <defaults>
</compile_context>

<pallas_src>
import functools
import math

import jax
import jax.numpy as jnp
from jax import lax
from jax.experimental import pallas as pl
from jax.experimental.pallas import tpu as pltpu
from jax.experimental.pallas import tpu_sc as plsc

H = 12
Q = 2048
K = 2048
NB = 32
TW = 4224
NSHIFT = 8
HP = 16
_LOG_RATIO = math.log(128 / 8)

NW = 32
T128W = 3968
NG = Q // 128
T128ROWS = H * 128
RPW128 = T128ROWS // NW


TWB = TW + NSHIFT


def _table_kernel(s_ref, wt_ref, out_ref):
    d = lax.broadcasted_iota(jnp.int32, (1, TWB), 1) + (s_ref[0] - (Q - 1))
    ret = (d >= 0).astype(jnp.int32) * (NB // 2)
    n = jnp.abs(d)
    max_exact = NB // 4
    n_safe = jnp.maximum(n, 1)
    val_if_large = max_exact + (
        jnp.log(n_safe.astype(jnp.float32) / max_exact)
        / _LOG_RATIO
        * (NB // 2 - max_exact)
    ).astype(jnp.int32)
    val_if_large = jnp.minimum(val_if_large, NB // 2 - 1)
    bucket = ret + jnp.where(n < max_exact, n, val_if_large)
    b_iota = lax.broadcasted_iota(jnp.int32, (NB, TWB), 0)
    onehot = (bucket == b_iota).astype(jnp.float32)
    base = jnp.dot(
        wt_ref[...], onehot,
        preferred_element_type=jnp.float32,
        precision=lax.Precision.HIGHEST,
    )
    for t in range(NSHIFT):
        out_ref[t * HP:(t + 1) * HP, :] = base[:, t:t + TW]


def _build_table(s, weight_t):
    return pl.pallas_call(
        _table_kernel,
        in_specs=[
            pl.BlockSpec(memory_space=pltpu.SMEM),
            pl.BlockSpec((HP, NB), lambda: (0, 0)),
        ],
        out_specs=pl.BlockSpec((NSHIFT * HP, TW), lambda: (0, 0)),
        out_shape=jax.ShapeDtypeStruct((NSHIFT * HP, TW), jnp.float32),
    )(s, weight_t)


NH_A = 6
NH_B = 6
CHUNK = 24


def _t128_body(h0, nh, table_hbm, out_hbm, buf, sem_r, sem_w):
    rpw = nh * 128 // NW
    ch = CHUNK if rpw % CHUNK == 0 else (16 if rpw % 16 == 0 else 12)
    assert rpw % ch == 0
    wid = lax.axis_index("s") * 2 + lax.axis_index("c")
    r0 = wid * rpw

    for chunk in range(rpw // ch):
        base = r0 + chunk * ch

        def fire_read(jj, carry):
            rr = base + jj
            h_local = rr // 128
            k = rr - h_local * 128
            h = h0 + h_local
            shift = 127 - k
            b = lax.rem(shift, NSHIFT)
            q8 = shift - b
            src_off = pl.multiple_of((b * HP + h) * TW + q8, NSHIFT)
            pltpu.make_async_copy(
                table_hbm.at[pl.ds(src_off, T128W)],
                buf.at[pl.ds(jj * T128W, T128W)],
                sem_r,
            ).start()
            return carry

        lax.fori_loop(0, ch, fire_read, 0)

        def drain_read(jj, carry):
            pltpu.make_async_copy(
                table_hbm.at[pl.ds(0, T128W)],
                buf.at[pl.ds(0, T128W)],
                sem_r,
            ).wait()
            return carry

        lax.fori_loop(0, ch, drain_read, 0)

        def fire_write(jj, carry):
            rr = base + jj
            pltpu.make_async_copy(
                buf.at[pl.ds(jj * T128W, T128W)],
                out_hbm.at[pl.ds(rr * T128W, T128W)],
                sem_w,
            ).start()
            return carry

        lax.fori_loop(0, ch, fire_write, 0)

        def drain_write(jj, carry):
            pltpu.make_async_copy(
                buf.at[pl.ds(0, T128W)],
                out_hbm.at[pl.ds(0, T128W)],
                sem_w,
            ).wait()
            return carry

        lax.fori_loop(0, ch, drain_write, 0)


def _build_t128_half(table_flat, h0, nh):
    kern = pl.kernel(
        functools.partial(_t128_body, h0, nh),
        out_type=jax.ShapeDtypeStruct((nh * 128 * T128W,), jnp.float32),
        mesh=plsc.VectorSubcoreMesh(core_axis_name="c", subcore_axis_name="s"),
        scratch_types=[
            pltpu.VMEM((CHUNK * T128W,), jnp.float32),
            pltpu.SemaphoreType.DMA,
            pltpu.SemaphoreType.DMA,
        ],
    )
    return kern(table_flat).reshape(nh, 128, T128W)


def _expand_kernel_first(t128_ref, out_ref):
    for g in range(NG):
        c0 = (NG - 1 - g) * 128
        out_ref[0, 0, g * 128:(g + 1) * 128, :] = t128_ref[0, :, c0:c0 + K]


def _expand_kernel_second(t128_ref, prev_ref, out_ref):
    del prev_ref
    for g in range(NG):
        c0 = (NG - 1 - g) * 128
        out_ref[0, 0, g * 128:(g + 1) * 128, :] = t128_ref[0, :, c0:c0 + K]


def _expand_half(t128_half, h0, nh, prev=None):
    out_shape = jax.ShapeDtypeStruct((1, H, Q, K), jnp.float32)
    in_specs = [pl.BlockSpec((1, 128, T128W), lambda h: (h, 0, 0))]
    operands = [t128_half]
    body = _expand_kernel_first
    aliases = {}
    if prev is not None:
        in_specs.append(pl.BlockSpec(memory_space=pltpu.HBM))
        operands.append(prev)
        body = _expand_kernel_second
        aliases = {1: 0}
    return pl.pallas_call(
        body,
        grid=(nh,),
        in_specs=in_specs,
        out_specs=pl.BlockSpec((1, 1, Q, K), lambda h, h0=h0: (0, h0 + h, 0, 0)),
        out_shape=out_shape,
        input_output_aliases=aliases,
    )(*operands)


def kernel(num_queries, num_keys, weight):
    s = (jnp.asarray(num_queries, jnp.int32) - jnp.int32(Q)).reshape(1)
    weight_t = jnp.zeros((HP, NB), jnp.float32).at[:H, :].set(weight.T)
    table_flat = _build_table(s, weight_t).reshape(NSHIFT * HP * TW)
    t128_a = _build_t128_half(table_flat, 0, NH_A)
    t128_b = _build_t128_half(table_flat, NH_A, NH_B)
    out = _expand_half(t128_a, 0, NH_A)
    out = _expand_half(t128_b, NH_A, NH_B, prev=out)
    return out

# --- scband reference (transcript-rebuilt; emitter-appended) ---
"""Pipeline reference for scband-relative-position-bias-19885698581046 (READ-ONLY COPY).

The authoritative reference and input builder live on the scoring server;
editing this copy changes nothing except your own understanding.
"""

import jax, jax.numpy as jnp
import numpy as np
import math

NUM_BUCKETS = 32
MAX_DISTANCE = 128
NUM_HEADS = 12
NUM_QUERIES = 2048
NUM_KEYS = 2048


def _relative_position_bucket(relative_position, num_buckets, max_distance):
    num_buckets //= 2
    ret = (relative_position >= 0).astype(jnp.int32) * num_buckets
    n = jnp.abs(relative_position)
    max_exact = num_buckets // 2
    is_small = n < max_exact
    n_safe = jnp.maximum(n, 1)  # avoid log(0); masked out by is_small anyway
    val_if_large = max_exact + (
        jnp.log(n_safe.astype(jnp.float32) / max_exact)
        / math.log(max_distance / max_exact)
        * (num_buckets - max_exact)
    ).astype(jnp.int32)
    val_if_large = jnp.minimum(val_if_large, num_buckets - 1)
    ret = ret + jnp.where(is_small, n, val_if_large)
    return ret


def setup_inputs(seed: int = 0) -> dict:
    key = jax.random.key(seed)
    # learned embedding table: [num_buckets, num_heads], init like nn.Embedding (N(0,1))
    weight = jax.random.normal(key, (NUM_BUCKETS, NUM_HEADS), dtype=jnp.float32)
    return {"num_queries": 2048, "num_keys": 2048, "weight": weight}


def reference(num_queries, num_keys, weight):
    i, j = NUM_QUERIES, NUM_KEYS
    q_offset = (jnp.asarray(num_keys, jnp.int32) - jnp.asarray(num_queries, jnp.int32)) - jnp.int32(j - i)
    k_offset = jnp.asarray(num_keys, jnp.int32) - jnp.int32(j)
    q_pos = jnp.arange(j - i, j, dtype=jnp.int32) + q_offset
    k_pos = jnp.arange(j, dtype=jnp.int32) + k_offset
    rel_pos = k_pos[None, :] - q_pos[:, None]  # [i, j]
    bucket = _relative_position_bucket(rel_pos, NUM_BUCKETS, MAX_DISTANCE)
    bias = jnp.take(weight, bucket, axis=0)  # [i, j, h] gather
    bias = jnp.transpose(bias, (2, 0, 1))[None]  # [1, h, i, j]
    return bias

if __name__ == "__main__":
    import jax
    _d = setup_inputs()
    print(jax.jit(kernel)(*tuple(_d.values())))

</pallas_src>

<mosaic_0001>
#map = affine_map<(d0, d1) -> (0)>
module attributes {stable_mosaic.version = 14 : i64} {
  func.func @_t128_body(%arg0: i32, %arg1: i32, %arg2: memref<540672xf32, #tpu.memory_space<hbm>>, %arg3: memref<3047424xf32, #tpu.memory_space<hbm>>, %arg4: memref<95232xf32, #tpu.memory_space<vmem>>, %arg5: memref<!tpu.dma_semaphore, #tpu.memory_space<semaphore_mem>>, %arg6: memref<!tpu.dma_semaphore, #tpu.memory_space<semaphore_mem>>) attributes {dimension_semantics = [#tpu.dimension_semantics<core_parallel>, #tpu.dimension_semantics<subcore_parallel>], iteration_bounds = array<i64: 2, 16>, scalar_prefetch = 0 : i64, scratch_operands = 3 : i64, tpu.core_type = #tpu.core_type<sc_vector_subcore>, window_params = [{transform_indices = #map}, {transform_indices = #map}]} {
    %mul3A = arith.constant 2 : i32
    %mul3A_0 = arith.muli %arg1, %mul3A : i32
    %add3A = arith.addi %mul3A_0, %arg0 : i32
    %mul3A_1 = arith.constant 24 : i32
    %mul3A_2 = arith.muli %add3A, %mul3A_1 : i32
    %add3A_3 = arith.constant 0 : i32
    %add3A_4 = arith.addi %mul3A_2, %add3A_3 : i32
    %scan3A = arith.constant 0 : i32
    %scan3A_5 = arith.constant 0 : i32
    %scan3A_6 = arith.constant 24 : i32
    %scan3A_7 = arith.addi %scan3A_5, %scan3A_6 : i32
    %scan3A_8 = arith.constant 1 : i32
    scf.for %scan3A_28 = %scan3A_5 to %scan3A_7 step %scan3A_8  : i32 {
      %add3A_29 = arith.addi %add3A_4, %scan3A_28 : i32
      %jit3A = arith.constant 128 : i32
      %div3A = arith.divsi %add3A_29, %jit3A : i32
      %sign3A = arith.constant 0 : i32
      %sign3A_30 = arith.cmpi sgt, %add3A_29, %sign3A : i32
      %sign3A_31 = arith.extui %sign3A_30 : i1 to i32
      %sign3A_32 = arith.constant 0 : i32
      %sign3A_33 = arith.cmpi slt, %add3A_29, %sign3A_32 : i32
      %sign3A_34 = arith.extui %sign3A_33 : i1 to i32
      %sign3A_35 = arith.subi %sign3A_31, %sign3A_34 : i32
      %sign3A_36 = arith.constant 0 : i32
      %sign3A_37 = arith.cmpi sgt, %jit3A, %sign3A_36 : i32
      %sign3A_38 = arith.extui %sign3A_37 : i1 to i32
      %sign3A_39 = arith.constant 0 : i32
      %sign3A_40 = arith.cmpi slt, %jit3A, %sign3A_39 : i32
      %sign3A_41 = arith.extui %sign3A_40 : i1 to i32
      %sign3A_42 = arith.subi %sign3A_38, %sign3A_41 : i32
      %ne3A = arith.cmpi ne, %sign3A_35, %sign3A_42 : i32
      %rem3A = arith.remsi %add3A_29, %jit3A : i32
      %ne3A_43 = arith.constant 0 : i32
      %ne3A_44 = arith.cmpi ne, %rem3A, %ne3A_43 : i32
      %and3A = arith.andi %ne3A, %ne3A_44 : i1
      %sub3A = arith.constant 1 : i32
      %sub3A_45 = arith.subi %div3A, %sub3A : i32
      %select_n3A = arith.select %and3A, %sub3A_45, %div3A : i32
      %mul3A_46 = arith.constant 128 : i32
      %mul3A_47 = arith.muli %select_n3A, %mul3A_46 : i32
      %sub3A_48 = arith.subi %add3A_29, %mul3A_47 : i32
      %add3A_49 = arith.constant 6 : i32
      %add3A_50 = arith.addi %add3A_49, %select_n3A : i32
      %sub3A_51 = arith.constant 127 : i32
      %sub3A_52 = arith.subi %sub3A_51, %sub3A_48 : i32
      %rem3A_53 = arith.constant 8 : i32
      %rem3A_54 = arith.remsi %sub3A_52, %rem3A_53 : i32
      %sub3A_55 = arith.subi %sub3A_52, %rem3A_54 : i32
      %mul3A_56 = arith.constant 16 : i32
      %mul3A_57 = arith.muli %rem3A_54, %mul3A_56 : i32
      %add3A_58 = arith.addi %mul3A_57, %add3A_50 : i32
      %mul3A_59 = arith.constant 4224 : i32
      %mul3A_60 = arith.muli %add3A_58, %mul3A_59 : i32
      %add3A_61 = arith.addi %mul3A_60, %sub3A_55 : i32
      %multiple_of3A = tpu.assume_multiple %add3A_61, 8 : i32
      %mul3A_62 = arith.constant 3968 : i32
      %mul3A_63 = arith.muli %scan3A_28, %mul3A_62 : i32
      %dma_start3A = tpu.memref_slice %arg4[%mul3A_63] : memref<95232xf32, #tpu.memory_space<vmem>> -> memref<3968xf32, #tpu.memory_space<vmem>>
      %dma_start3A_64 = tpu.memref_slice %arg2[%multiple_of3A] : memref<540672xf32, #tpu.memory_space<hbm>> -> memref<3968xf32, #tpu.memory_space<hbm>>
      %dma_start3A_65 = tpu.memref_slice %arg4[%mul3A_63] : memref<95232xf32, #tpu.memory_space<vmem>> -> memref<3968xf32, #tpu.memory_space<vmem>>
      %dma_start3A_66 = tpu.memref_slice %arg2[%multiple_of3A] : memref<540672xf32, #tpu.memory_space<hbm>> -> memref<3968xf32, #tpu.memory_space<hbm>>
      tpu.enqueue_dma source(%dma_start3A_66 : memref<3968xf32, #tpu.memory_space<hbm>>) target(%dma_start3A_65 : memref<3968xf32, #tpu.memory_space<vmem>>) target_semaphore(%arg5 : memref<!tpu.dma_semaphore, #tpu.memory_space<semaphore_mem>>)
    }
    %scan3A_9 = arith.constant 24 : i32
    %scan3A_10 = arith.constant 0 : i32
    %scan3A_11 = arith.constant 0 : i32
    %scan3A_12 = arith.constant 24 : i32
    %scan3A_13 = arith.addi %scan3A_11, %scan3A_12 : i32
    %scan3A_14 = arith.constant 1 : i32
    scf.for %scan3A_28 = %scan3A_11 to %scan3A_13 step %scan3A_14  : i32 {
      %dma_wait3A = arith.constant 0 : i32
      %dma_wait3A_29 = tpu.memref_slice %arg4[%dma_wait3A] : memref<95232xf32, #tpu.memory_space<vmem>> -> memref<3968xf32, #tpu.memory_space<vmem>>
      %dma_wait3A_30 = arith.constant 0 : i32
      %dma_wait3A_31 = tpu.memref_slice %arg2[%dma_wait3A_30] : memref<540672xf32, #tpu.memory_space<hbm>> -> memref<3968xf32, #tpu.memory_space<hbm>>
      %dma_wait3A_32 = arith.constant 0 : i32
      %dma_wait3A_33 = tpu.memref_slice %arg4[%dma_wait3A_32] : memref<95232xf32, #tpu.memory_space<vmem>> -> memref<3968xf32, #tpu.memory_space<vmem>>
      %dma_wait3A_34 = arith.constant 0 : i32
      %dma_wait3A_35 = tpu.memref_slice %arg2[%dma_wait3A_34] : memref<540672xf32, #tpu.memory_space<hbm>> -> memref<3968xf32, #tpu.memory_space<hbm>>
      tpu.wait_dma2 semaphore(%arg5 : memref<!tpu.dma_semaphore, #tpu.memory_space<semaphore_mem>>) src(%dma_wait3A_35 : memref<3968xf32, #tpu.memory_space<hbm>>) dst(%dma_wait3A_33 : memref<3968xf32, #tpu.memory_space<vmem>>)
    }
    %scan3A_15 = arith.constant 24 : i32
    %scan3A_16 = arith.constant 0 : i32
    %scan3A_17 = arith.constant 0 : i32
    %scan3A_18 = arith.constant 24 : i32
    %scan3A_19 = arith.addi %scan3A_17, %scan3A_18 : i32
    %scan3A_20 = arith.constant 1 : i32
    scf.for %scan3A_28 = %scan3A_17 to %scan3A_19 step %scan3A_20  : i32 {
      %add3A_29 = arith.addi %add3A_4, %scan3A_28 : i32
      %mul3A_30 = arith.constant 3968 : i32
      %mul3A_31 = arith.muli %scan3A_28, %mul3A_30 : i32
      %mul3A_32 = arith.constant 3968 : i32
      %mul3A_33 = arith.muli %add3A_29, %mul3A_32 : i32
      %dma_start3A = tpu.memref_slice %arg4[%mul3A_31] : memref<95232xf32, #tpu.memory_space<vmem>> -> memref<3968xf32, #tpu.memory_space<vmem>>
      %dma_start3A_34 = tpu.memref_slice %arg3[%mul3A_33] : memref<3047424xf32, #tpu.memory_space<hbm>> -> memref<3968xf32, #tpu.memory_space<hbm>>
      %dma_start3A_35 = tpu.memref_slice %arg3[%mul3A_33] : memref<3047424xf32, #tpu.memory_space<hbm>> -> memref<3968xf32, #tpu.memory_space<hbm>>
      %dma_start3A_36 = tpu.memref_slice %arg4[%mul3A_31] : memref<95232xf32, #tpu.memory_space<vmem>> -> memref<3968xf32, #tpu.memory_space<vmem>>
      tpu.enqueue_dma source(%dma_start3A_36 : memref<3968xf32, #tpu.memory_space<vmem>>) target(%dma_start3A_35 : memref<3968xf32, #tpu.memory_space<hbm>>) target_semaphore(%arg6 : memref<!tpu.dma_semaphore, #tpu.memory_space<semaphore_mem>>)
    }
    %scan3A_21 = arith.constant 24 : i32
    %scan3A_22 = arith.constant 0 : i32
    %scan3A_23 = arith.constant 0 : i32
    %scan3A_24 = arith.constant 24 : i32
    %scan3A_25 = arith.addi %scan3A_23, %scan3A_24 : i32
    %scan3A_26 = arith.constant 1 : i32
    scf.for %scan3A_28 = %scan3A_23 to %scan3A_25 step %scan3A_26  : i32 {
      %dma_wait3A = arith.constant 0 : i32
      %dma_wait3A_29 = tpu.memref_slice %arg4[%dma_wait3A] : memref<95232xf32, #tpu.memory_space<vmem>> -> memref<3968xf32, #tpu.memory_space<vmem>>
      %dma_wait3A_30 = arith.constant 0 : i32
      %dma_wait3A_31 = tpu.memref_slice %arg3[%dma_wait3A_30] : memref<3047424xf32, #tpu.memory_space<hbm>> -> memref<3968xf32, #tpu.memory_space<hbm>>
      %dma_wait3A_32 = arith.constant 0 : i32
      %dma_wait3A_33 = tpu.memref_slice %arg3[%dma_wait3A_32] : memref<3047424xf32, #tpu.memory_space<hbm>> -> memref<3968xf32, #tpu.memory_space<hbm>>
      %dma_wait3A_34 = arith.constant 0 : i32
      %dma_wait3A_35 = tpu.memref_slice %arg4[%dma_wait3A_34] : memref<95232xf32, #tpu.memory_space<vmem>> -> memref<3968xf32, #tpu.memory_space<vmem>>
      tpu.wait_dma2 semaphore(%arg6 : memref<!tpu.dma_semaphore, #tpu.memory_space<semaphore_mem>>) src(%dma_wait3A_35 : memref<3968xf32, #tpu.memory_space<vmem>>) dst(%dma_wait3A_33 : memref<3968xf32, #tpu.memory_space<hbm>>)
    }
    %scan3A_27 = arith.constant 24 : i32
    return
  }
}

#map = affine_map<(d0, d1) -> (0)>
module attributes {stable_mosaic.version = 14 : i64} {
  func.func @_t128_body(%arg0: i32, %arg1: i32, %arg2: memref<540672xf32, #tpu.memory_space<hbm>>, %arg3: memref<3047424xf32, #tpu.memory_space<hbm>>, %arg4: memref<95232xf32, #tpu.memory_space<vmem>>, %arg5: memref<!tpu.dma_semaphore, #tpu.memory_space<semaphore_mem>>, %arg6: memref<!tpu.dma_semaphore, #tpu.memory_space<semaphore_mem>>) attributes {dimension_semantics = [#tpu.dimension_semantics<core_parallel>, #tpu.dimension_semantics<subcore_parallel>], iteration_bounds = array<i64: 2, 16>, scalar_prefetch = 0 : i64, scratch_operands = 3 : i64, tpu.core_type = #tpu.core_type<sc_vector_subcore>, window_params = [{transform_indices = #map}, {transform_indices = #map}]} {
    %mul3A = arith.constant 2 : i32
    %mul3A_0 = arith.muli %arg1, %mul3A : i32
    %add3A = arith.addi %mul3A_0, %arg0 : i32
    %mul3A_1 = arith.constant 24 : i32
    %mul3A_2 = arith.muli %add3A, %mul3A_1 : i32
    %add3A_3 = arith.constant 0 : i32
    %add3A_4 = arith.addi %mul3A_2, %add3A_3 : i32
    %scan3A = arith.constant 0 : i32
    %scan3A_5 = arith.constant 0 : i32
    %scan3A_6 = arith.constant 24 : i32
    %scan3A_7 = arith.addi %scan3A_5, %scan3A_6 : i32
    %scan3A_8 = arith.constant 1 : i32
    scf.for %scan3A_28 = %scan3A_5 to %scan3A_7 step %scan3A_8  : i32 {
      %add3A_29 = arith.addi %add3A_4, %scan3A_28 : i32
      %jit3A = arith.constant 128 : i32
      %div3A = arith.divsi %add3A_29, %jit3A : i32
      %sign3A = arith.constant 0 : i32
      %sign3A_30 = arith.cmpi sgt, %add3A_29, %sign3A : i32
      %sign3A_31 = arith.extui %sign3A_30 : i1 to i32
      %sign3A_32 = arith.constant 0 : i32
      %sign3A_33 = arith.cmpi slt, %add3A_29, %sign3A_32 : i32
      %sign3A_34 = arith.extui %sign3A_33 : i1 to i32
      %sign3A_35 = arith.subi %sign3A_31, %sign3A_34 : i32
      %sign3A_36 = arith.constant 0 : i32
      %sign3A_37 = arith.cmpi sgt, %jit3A, %sign3A_36 : i32
      %sign3A_38 = arith.extui %sign3A_37 : i1 to i32
      %sign3A_39 = arith.constant 0 : i32
      %sign3A_40 = arith.cmpi slt, %jit3A, %sign3A_39 : i32
      %sign3A_41 = arith.extui %sign3A_40 : i1 to i32
      %sign3A_42 = arith.subi %sign3A_38, %sign3A_41 : i32
      %ne3A = arith.cmpi ne, %sign3A_35, %sign3A_42 : i32
      %rem3A = arith.remsi %add3A_29, %jit3A : i32
      %ne3A_43 = arith.constant 0 : i32
      %ne3A_44 = arith.cmpi ne, %rem3A, %ne3A_43 : i32
      %and3A = arith.andi %ne3A, %ne3A_44 : i1
      %sub3A = arith.constant 1 : i32
      %sub3A_45 = arith.subi %div3A, %sub3A : i32
      %select_n3A = arith.select %and3A, %sub3A_45, %div3A : i32
      %mul3A_46 = arith.constant 128 : i32
      %mul3A_47 = arith.muli %select_n3A, %mul3A_46 : i32
      %sub3A_48 = arith.subi %add3A_29, %mul3A_47 : i32
      %add3A_49 = arith.constant 0 : i32
      %add3A_50 = arith.addi %add3A_49, %select_n3A : i32
      %sub3A_51 = arith.constant 127 : i32
      %sub3A_52 = arith.subi %sub3A_51, %sub3A_48 : i32
      %rem3A_53 = arith.constant 8 : i32
      %rem3A_54 = arith.remsi %sub3A_52, %rem3A_53 : i32
      %sub3A_55 = arith.subi %sub3A_52, %rem3A_54 : i32
      %mul3A_56 = arith.constant 16 : i32
      %mul3A_57 = arith.muli %rem3A_54, %mul3A_56 : i32
      %add3A_58 = arith.addi %mul3A_57, %add3A_50 : i32
      %mul3A_59 = arith.constant 4224 : i32
      %mul3A_60 = arith.muli %add3A_58, %mul3A_59 : i32
      %add3A_61 = arith.addi %mul3A_60, %sub3A_55 : i32
      %multiple_of3A = tpu.assume_multiple %add3A_61, 8 : i32
      %mul3A_62 = arith.constant 3968 : i32
      %mul3A_63 = arith.muli %scan3A_28, %mul3A_62 : i32
      %dma_start3A = tpu.memref_slice %arg4[%mul3A_63] : memref<95232xf32, #tpu.memory_space<vmem>> -> memref<3968xf32, #tpu.memory_space<vmem>>
      %dma_start3A_64 = tpu.memref_slice %arg2[%multiple_of3A] : memref<540672xf32, #tpu.memory_space<hbm>> -> memref<3968xf32, #tpu.memory_space<hbm>>
      %dma_start3A_65 = tpu.memref_slice %arg4[%mul3A_63] : memref<95232xf32, #tpu.memory_space<vmem>> -> memref<3968xf32, #tpu.memory_space<vmem>>
      %dma_start3A_66 = tpu.memref_slice %arg2[%multiple_of3A] : memref<540672xf32, #tpu.memory_space<hbm>> -> memref<3968xf32, #tpu.memory_space<hbm>>
      tpu.enqueue_dma source(%dma_start3A_66 : memref<3968xf32, #tpu.memory_space<hbm>>) target(%dma_start3A_65 : memref<3968xf32, #tpu.memory_space<vmem>>) target_semaphore(%arg5 : memref<!tpu.dma_semaphore, #tpu.memory_space<semaphore_mem>>)
    }
    %scan3A_9 = arith.constant 24 : i32
    %scan3A_10 = arith.constant 0 : i32
    %scan3A_11 = arith.constant 0 : i32
    %scan3A_12 = arith.constant 24 : i32
    %scan3A_13 = arith.addi %scan3A_11, %scan3A_12 : i32
    %scan3A_14 = arith.constant 1 : i32
    scf.for %scan3A_28 = %scan3A_11 to %scan3A_13 step %scan3A_14  : i32 {
      %dma_wait3A = arith.constant 0 : i32
      %dma_wait3A_29 = tpu.memref_slice %arg4[%dma_wait3A] : memref<95232xf32, #tpu.memory_space<vmem>> -> memref<3968xf32, #tpu.memory_space<vmem>>
      %dma_wait3A_30 = arith.constant 0 : i32
      %dma_wait3A_31 = tpu.memref_slice %arg2[%dma_wait3A_30] : memref<540672xf32, #tpu.memory_space<hbm>> -> memref<3968xf32, #tpu.memory_space<hbm>>
      %dma_wait3A_32 = arith.constant 0 : i32
      %dma_wait3A_33 = tpu.memref_slice %arg4[%dma_wait3A_32] : memref<95232xf32, #tpu.memory_space<vmem>> -> memref<3968xf32, #tpu.memory_space<vmem>>
      %dma_wait3A_34 = arith.constant 0 : i32
      %dma_wait3A_35 = tpu.memref_slice %arg2[%dma_wait3A_34] : memref<540672xf32, #tpu.memory_space<hbm>> -> memref<3968xf32, #tpu.memory_space<hbm>>
      tpu.wait_dma2 semaphore(%arg5 : memref<!tpu.dma_semaphore, #tpu.memory_space<semaphore_mem>>) src(%dma_wait3A_35 : memref<3968xf32, #tpu.memory_space<hbm>>) dst(%dma_wait3A_33 : memref<3968xf32, #tpu.memory_space<vmem>>)
    }
    %scan3A_15 = arith.constant 24 : i32
    %scan3A_16 = arith.constant 0 : i32
    %scan3A_17 = arith.constant 0 : i32
    %scan3A_18 = arith.constant 24 : i32
    %scan3A_19 = arith.addi %scan3A_17, %scan3A_18 : i32
    %scan3A_20 = arith.constant 1 : i32
    scf.for %scan3A_28 = %scan3A_17 to %scan3A_19 step %scan3A_20  : i32 {
      %add3A_29 = arith.addi %add3A_4, %scan3A_28 : i32
      %mul3A_30 = arith.constant 3968 : i32
      %mul3A_31 = arith.muli %scan3A_28, %mul3A_30 : i32
      %mul3A_32 = arith.constant 3968 : i32
      %mul3A_33 = arith.muli %add3A_29, %mul3A_32 : i32
      %dma_start3A = tpu.memref_slice %arg4[%mul3A_31] : memref<95232xf32, #tpu.memory_space<vmem>> -> memref<3968xf32, #tpu.memory_space<vmem>>
      %dma_start3A_34 = tpu.memref_slice %arg3[%mul3A_33] : memref<3047424xf32, #tpu.memory_space<hbm>> -> memref<3968xf32, #tpu.memory_space<hbm>>
      %dma_start3A_35 = tpu.memref_slice %arg3[%mul3A_33] : memref<3047424xf32, #tpu.memory_space<hbm>> -> memref<3968xf32, #tpu.memory_space<hbm>>
      %dma_start3A_36 = tpu.memref_slice %arg4[%mul3A_31] : memref<95232xf32, #tpu.memory_space<vmem>> -> memref<3968xf32, #tpu.memory_space<vmem>>
      tpu.enqueue_dma source(%dma_start3A_36 : memref<3968xf32, #tpu.memory_space<vmem>>) target(%dma_start3A_35 : memref<3968xf32, #tpu.memory_space<hbm>>) target_semaphore(%arg6 : memref<!tpu.dma_semaphore, #tpu.memory_space<semaphore_mem>>)
    }
    %scan3A_21 = arith.constant 24 : i32
    %scan3A_22 = arith.constant 0 : i32
    %scan3A_23 = arith.constant 0 : i32
    %scan3A_24 = arith.constant 24 : i32
    %scan3A_25 = arith.addi %scan3A_23, %scan3A_24 : i32
    %scan3A_26 = arith.constant 1 : i32
    scf.for %scan3A_28 = %scan3A_23 to %scan3A_25 step %scan3A_26  : i32 {
      %dma_wait3A = arith.constant 0 : i32
      %dma_wait3A_29 = tpu.memref_slice %arg4[%dma_wait3A] : memref<95232xf32, #tpu.memory_space<vmem>> -> memref<3968xf32, #tpu.memory_space<vmem>>
      %dma_wait3A_30 = arith.constant 0 : i32
      %dma_wait3A_31 = tpu.memref_slice %arg3[%dma_wait3A_30] : memref<3047424xf32, #tpu.memory_space<hbm>> -> memref<3968xf32, #tpu.memory_space<hbm>>
      %dma_wait3A_32 = arith.constant 0 : i32
      %dma_wait3A_33 = tpu.memref_slice %arg3[%dma_wait3A_32] : memref<3047424xf32, #tpu.memory_space<hbm>> -> memref<3968xf32, #tpu.memory_space<hbm>>
      %dma_wait3A_34 = arith.constant 0 : i32
      %dma_wait3A_35 = tpu.memref_slice %arg4[%dma_wait3A_34] : memref<95232xf32, #tpu.memory_space<vmem>> -> memref<3968xf32, #tpu.memory_space<vmem>>
      tpu.wait_dma2 semaphore(%arg6 : memref<!tpu.dma_semaphore, #tpu.memory_space<semaphore_mem>>) src(%dma_wait3A_35 : memref<3968xf32, #tpu.memory_space<vmem>>) dst(%dma_wait3A_33 : memref<3968xf32, #tpu.memory_space<hbm>>)
    }
    %scan3A_27 = arith.constant 24 : i32
    return
  }
}

module attributes {stable_mosaic.version = 14 : i64} {
  func.func @_table_kernel(%arg0: memref<1xi32, #tpu.memory_space<smem>>, %arg1: memref<16x32xf32, #tpu.memory_space<vmem>>, %arg2: memref<128x4224xf32, #tpu.memory_space<vmem>>) attributes {dimension_semantics = [], scalar_prefetch = 0 : i64, scratch_operands = 0 : i64, tpu.core_type = #tpu.core_type<tc>} {
    %iota3A = tpu.iota {dimensions = array<i32: 1>} : vector<1x4232xi32>
    %get3A = arith.constant 0 : index
    %get3A_0 = memref.load %arg0[%get3A] : memref<1xi32, #tpu.memory_space<smem>>
    %sub3A = arith.constant 2047 : i32
    %sub3A_1 = arith.subi %get3A_0, %sub3A : i32
    %add3A = vector.broadcast %sub3A_1 : i32 to vector<1x4232xi32>
    %add3A_2 = arith.addi %iota3A, %add3A : vector<1x4232xi32>
    %ge3A = arith.constant 0 : i32
    %ge3A_3 = vector.broadcast %ge3A : i32 to vector<1x4232xi32>
    %ge3A_4 = arith.cmpi sge, %add3A_2, %ge3A_3 : vector<1x4232xi32>
    %convert_element_type3A = arith.extui %ge3A_4 : vector<1x4232xi1> to vector<1x4232xi32>
    %mul3A = arith.constant 16 : i32
    %mul3A_5 = vector.broadcast %mul3A : i32 to vector<1x4232xi32>
    %mul3A_6 = arith.muli %convert_element_type3A, %mul3A_5 : vector<1x4232xi32>
    %abs3A = math.absi %add3A_2 : vector<1x4232xi32>
    %max3A = arith.constant 1 : i32
    %max3A_7 = vector.broadcast %max3A : i32 to vector<1x4232xi32>
    %max3A_8 = arith.maxsi %abs3A, %max3A_7 : vector<1x4232xi32>
    %convert_element_type3A_9 = arith.sitofp %max3A_8 : vector<1x4232xi32> to vector<1x4232xf32>
    %div3A = arith.constant 8.000000e+00 : f32
    %div3A_10 = vector.broadcast %div3A : f32 to vector<1x4232xf32>
    %div3A_11 = arith.divf %convert_element_type3A_9, %div3A_10 : vector<1x4232xf32>
    %log3A = math.log %div3A_11 : vector<1x4232xf32>
    %div3A_12 = arith.constant 2.77258873 : f32
    %div3A_13 = vector.broadcast %div3A_12 : f32 to vector<1x4232xf32>
    %div3A_14 = arith.divf %log3A, %div3A_13 : vector<1x4232xf32>
    %mul3A_15 = arith.constant 8.000000e+00 : f32
    %mul3A_16 = vector.broadcast %mul3A_15 : f32 to vector<1x4232xf32>
    %mul3A_17 = arith.mulf %div3A_14, %mul3A_16 : vector<1x4232xf32>
    %convert_element_type3A_18 = arith.fptosi %mul3A_17 : vector<1x4232xf32> to vector<1x4232xi32>
    %add3A_19 = arith.constant 8 : i32
    %add3A_20 = vector.broadcast %add3A_19 : i32 to vector<1x4232xi32>
    %add3A_21 = arith.addi %add3A_20, %convert_element_type3A_18 : vector<1x4232xi32>
    %min3A = arith.constant 15 : i32
    %min3A_22 = vector.broadcast %min3A : i32 to vector<1x4232xi32>
    %min3A_23 = arith.minsi %add3A_21, %min3A_22 : vector<1x4232xi32>
    %lt3A = arith.constant 8 : i32
    %lt3A_24 = vector.broadcast %lt3A : i32 to vector<1x4232xi32>
    %lt3A_25 = arith.cmpi slt, %abs3A, %lt3A_24 : vector<1x4232xi32>
    %select_n3A = arith.select %lt3A_25, %abs3A, %min3A_23 : vector<1x4232xi1>, vector<1x4232xi32>
    %add3A_26 = arith.addi %mul3A_6, %select_n3A : vector<1x4232xi32>
    %iota3A_27 = tpu.iota {dimensions = array<i32: 0>} : vector<32x4232xi32>
    %eq3A = vector.broadcast %add3A_26 : vector<1x4232xi32> to vector<32x4232xi32>
    %eq3A_28 = arith.cmpi eq, %eq3A, %iota3A_27 : vector<32x4232xi32>
    %convert_element_type3A_29 = arith.extui %eq3A_28 : vector<32x4232xi1> to vector<32x4232xi32>
    %convert_element_type3A_30 = arith.sitofp %convert_element_type3A_29 : vector<32x4232xi32> to vector<32x4232xf32>
    %get3A_31 = arith.constant 0 : index
    %get3A_32 = arith.constant 0 : index
    %get3A_33 = vector.load %arg1[%get3A_31, %get3A_32] : memref<16x32xf32, #tpu.memory_space<vmem>>, vector<16x32xf32>
    %dot_general3A = arith.constant dense<0.000000e+00> : vector<16x4232xf32>
    %dot_general3A_34 = tpu.matmul %get3A_33, %convert_element_type3A_30, %dot_general3A {dimension_numbers = #tpu.dot_dimension_numbers<[1], [0], [0], [1], [0, 0, 1, 1], [], []>, precision = #tpu.contract_precision<fp32>, transpose_lhs_hint = false} : vector<16x32xf32>, vector<32x4232xf32>, vector<16x4232xf32> -> vector<16x4232xf32>
    %slice3A = vector.extract_strided_slice %dot_general3A_34 {offsets = [0, 0], sizes = [16, 4224], strides = [1, 1]} : vector<16x4232xf32> to vector<16x4224xf32>
    %swap3A = arith.constant 0 : index
    %swap3A_35 = arith.constant 0 : index
    %swap3A_36 = vector.load %arg2[%swap3A, %swap3A_35] : memref<128x4224xf32, #tpu.memory_space<vmem>>, vector<16x4224xf32>
    tpu.vector_store %arg2[%swap3A, %swap3A_35], %slice3A {strides = array<i32>} : memref<128x4224xf32, #tpu.memory_space<vmem>>, vector<16x4224xf32>,
    %slice3A_37 = vector.extract_strided_slice %dot_general3A_34 {offsets = [0, 1], sizes = [16, 4224], strides = [1, 1]} : vector<16x4232xf32> to vector<16x4224xf32>
    %swap3A_38 = arith.constant 16 : index
    %swap3A_39 = arith.constant 0 : index
    %swap3A_40 = vector.load %arg2[%swap3A_38, %swap3A_39] : memref<128x4224xf32, #tpu.memory_space<vmem>>, vector<16x4224xf32>
    tpu.vector_store %arg2[%swap3A_38, %swap3A_39], %slice3A_37 {strides = array<i32>} : memref<128x4224xf32, #tpu.memory_space<vmem>>, vector<16x4224xf32>,
    %slice3A_41 = vector.extract_strided_slice %dot_general3A_34 {offsets = [0, 2], sizes = [16, 4224], strides = [1, 1]} : vector<16x4232xf32> to vector<16x4224xf32>
    %swap3A_42 = arith.constant 32 : index
    %swap3A_43 = arith.constant 0 : index
    %swap3A_44 = vector.load %arg2[%swap3A_42, %swap3A_43] : memref<128x4224xf32, #tpu.memory_space<vmem>>, vector<16x4224xf32>
    tpu.vector_store %arg2[%swap3A_42, %swap3A_43], %slice3A_41 {strides = array<i32>} : memref<128x4224xf32, #tpu.memory_space<vmem>>, vector<16x4224xf32>,
    %slice3A_45 = vector.extract_strided_slice %dot_general3A_34 {offsets = [0, 3], sizes = [16, 4224], strides = [1, 1]} : vector<16x4232xf32> to vector<16x4224xf32>
    %swap3A_46 = arith.constant 48 : index
    %swap3A_47 = arith.constant 0 : index
    %swap3A_48 = vector.load %arg2[%swap3A_46, %swap3A_47] : memref<128x4224xf32, #tpu.memory_space<vmem>>, vector<16x4224xf32>
    tpu.vector_store %arg2[%swap3A_46, %swap3A_47], %slice3A_45 {strides = array<i32>} : memref<128x4224xf32, #tpu.memory_space<vmem>>, vector<16x4224xf32>,
    %slice3A_49 = vector.extract_strided_slice %dot_general3A_34 {offsets = [0, 4], sizes = [16, 4224], strides = [1, 1]} : vector<16x4232xf32> to vector<16x4224xf32>
    %swap3A_50 = arith.constant 64 : index
    %swap3A_51 = arith.constant 0 : index
    %swap3A_52 = vector.load %arg2[%swap3A_50, %swap3A_51] : memref<128x4224xf32, #tpu.memory_space<vmem>>, vector<16x4224xf32>
    tpu.vector_store %arg2[%swap3A_50, %swap3A_51], %slice3A_49 {strides = array<i32>} : memref<128x4224xf32, #tpu.memory_space<vmem>>, vector<16x4224xf32>,
    %slice3A_53 = vector.extract_strided_slice %dot_general3A_34 {offsets = [0, 5], sizes = [16, 4224], strides = [1, 1]} : vector<16x4232xf32> to vector<16x4224xf32>
    %swap3A_54 = arith.constant 80 : index
    %swap3A_55 = arith.constant 0 : index
    %swap3A_56 = vector.load %arg2[%swap3A_54, %swap3A_55] : memref<128x4224xf32, #tpu.memory_space<vmem>>, vector<16x4224xf32>
    tpu.vector_store %arg2[%swap3A_54, %swap3A_55], %slice3A_53 {strides = array<i32>} : memref<128x4224xf32, #tpu.memory_space<vmem>>, vector<16x4224xf32>,
    %slice3A_57 = vector.extract_strided_slice %dot_general3A_34 {offsets = [0, 6], sizes = [16, 4224], strides = [1, 1]} : vector<16x4232xf32> to vector<16x4224xf32>
    %swap3A_58 = arith.constant 96 : index
    %swap3A_59 = arith.constant 0 : index
    %swap3A_60 = vector.load %arg2[%swap3A_58, %swap3A_59] : memref<128x4224xf32, #tpu.memory_space<vmem>>, vector<16x4224xf32>
    tpu.vector_store %arg2[%swap3A_58, %swap3A_59], %slice3A_57 {strides = array<i32>} : memref<128x4224xf32, #tpu.memory_space<vmem>>, vector<16x4224xf32>,
    %slice3A_61 = vector.extract_strided_slice %dot_general3A_34 {offsets = [0, 7], sizes = [16, 4224], strides = [1, 1]} : vector<16x4232xf32> to vector<16x4224xf32>
    %swap3A_62 = arith.constant 112 : index
    %swap3A_63 = arith.constant 0 : index
    %swap3A_64 = vector.load %arg2[%swap3A_62, %swap3A_63] : memref<128x4224xf32, #tpu.memory_space<vmem>>, vector<16x4224xf32>
    tpu.vector_store %arg2[%swap3A_62, %swap3A_63], %slice3A_61 {strides = array<i32>} : memref<128x4224xf32, #tpu.memory_space<vmem>>, vector<16x4224xf32>,
    return
  }
}

module attributes {stable_mosaic.version = 14 : i64} {
  func.func @_expand_kernel_first(%arg0: i32, %arg1: memref<1x128x3968xf32, #tpu.memory_space<vmem>>, %arg2: memref<1x1x2048x2048xf32, #tpu.memory_space<vmem>>) attributes {dimension_semantics = [#tpu.dimension_semantics<arbitrary>], iteration_bounds = array<i64: 6>, scalar_prefetch = 0 : i64, scratch_operands = 0 : i64, tpu.core_type = #tpu.core_type<tc>, window_params = [{transform_indices = @transform_0, window_bounds = array<i64: 1, 128, 3968>}, {transform_indices = @transform_1, window_bounds = array<i64: 1, 1, 2048, 2048>}]} {
    %get3A = arith.constant 0 : index
    %get3A_0 = arith.constant 0 : index
    %get3A_1 = arith.constant 1920 : index
    %get3A_2 = vector.load %arg1[%get3A, %get3A_0, %get3A_1] : memref<1x128x3968xf32, #tpu.memory_space<vmem>>, vector<1x128x2048xf32>
    %get3A_3 = vector.shape_cast %get3A_2 : vector<1x128x2048xf32> to vector<128x2048xf32>
    %swap3A = arith.constant 0 : index
    %swap3A_4 = arith.constant 0 : index
    %swap3A_5 = arith.constant 0 : index
    %swap3A_6 = arith.constant 0 : index
    %swap3A_7 = vector.load %arg2[%swap3A, %swap3A_4, %swap3A_5, %swap3A_6] : memref<1x1x2048x2048xf32, #tpu.memory_space<vmem>>, vector<1x1x128x2048xf32>
    %swap3A_8 = vector.shape_cast %swap3A_7 : vector<1x1x128x2048xf32> to vector<128x2048xf32>
    %swap3A_9 = vector.shape_cast %get3A_3 : vector<128x2048xf32> to vector<1x1x128x2048xf32>
    tpu.vector_store %arg2[%swap3A, %swap3A_4, %swap3A_5, %swap3A_6], %swap3A_9 {strides = array<i32>} : memref<1x1x2048x2048xf32, #tpu.memory_space<vmem>>, vector<1x1x128x2048xf32>,
    %get3A_10 = arith.constant 0 : index
    %get3A_11 = arith.constant 0 : index
    %get3A_12 = arith.constant 1792 : index
    %get3A_13 = vector.load %arg1[%get3A_10, %get3A_11, %get3A_12] : memref<1x128x3968xf32, #tpu.memory_space<vmem>>, vector<1x128x2048xf32>
    %get3A_14 = vector.shape_cast %get3A_13 : vector<1x128x2048xf32> to vector<128x2048xf32>
    %swap3A_15 = arith.constant 0 : index
    %swap3A_16 = arith.constant 0 : index
    %swap3A_17 = arith.constant 128 : index
    %swap3A_18 = arith.constant 0 : index
    %swap3A_19 = vector.load %arg2[%swap3A_15, %swap3A_16, %swap3A_17, %swap3A_18] : memref<1x1x2048x2048xf32, #tpu.memory_space<vmem>>, vector<1x1x128x2048xf32>
    %swap3A_20 = vector.shape_cast %swap3A_19 : vector<1x1x128x2048xf32> to vector<128x2048xf32>
    %swap3A_21 = vector.shape_cast %get3A_14 : vector<128x2048xf32> to vector<1x1x128x2048xf32>
    tpu.vector_store %arg2[%swap3A_15, %swap3A_16, %swap3A_17, %swap3A_18], %swap3A_21 {strides = array<i32>} : memref<1x1x2048x2048xf32, #tpu.memory_space<vmem>>, vector<1x1x128x2048xf32>,
    %get3A_22 = arith.constant 0 : index
    %get3A_23 = arith.constant 0 : index
    %get3A_24 = arith.constant 1664 : index
    %get3A_25 = vector.load %arg1[%get3A_22, %get3A_23, %get3A_24] : memref<1x128x3968xf32, #tpu.memory_space<vmem>>, vector<1x128x2048xf32>
    %get3A_26 = vector.shape_cast %get3A_25 : vector<1x128x2048xf32> to vector<128x2048xf32>
    %swap3A_27 = arith.constant 0 : index
    %swap3A_28 = arith.constant 0 : index
    %swap3A_29 = arith.constant 256 : index
    %swap3A_30 = arith.constant 0 : index
    %swap3A_31 = vector.load %arg2[%swap3A_27, %swap3A_28, %swap3A_29, %swap3A_30] : memref<1x1x2048x2048xf32, #tpu.memory_space<vmem>>, vector<1x1x128x2048xf32>
    %swap3A_32 = vector.shape_cast %swap3A_31 : vector<1x1x128x2048xf32> to vector<128x2048xf32>
    %swap3A_33 = vector.shape_cast %get3A_26 : vector<128x2048xf32> to vector<1x1x128x2048xf32>
    tpu.vector_store %arg2[%swap3A_27, %swap3A_28, %swap3A_29, %swap3A_30], %swap3A_33 {strides = array<i32>} : memref<1x1x2048x2048xf32, #tpu.memory_space<vmem>>, vector<1x1x128x2048xf32>,
    %get3A_34 = arith.constant 0 : index
    %get3A_35 = arith.constant 0 : index
    %get3A_36 = arith.constant 1536 : index
    %get3A_37 = vector.load %arg1[%get3A_34, %get3A_35, %get3A_36] : memref<1x128x3968xf32, #tpu.memory_space<vmem>>, vector<1x128x2048xf32>
    %get3A_38 = vector.shape_cast %get3A_37 : vector<1x128x2048xf32> to vector<128x2048xf32>
    %swap3A_39 = arith.constant 0 : index
    %swap3A_40 = arith.constant 0 : index
    %swap3A_41 = arith.constant 384 : index
    %swap3A_42 = arith.constant 0 : index
    %swap3A_43 = vector.load %arg2[%swap3A_39, %swap3A_40, %swap3A_41, %swap3A_42] : memref<1x1x2048x2048xf32, #tpu.memory_space<vmem>>, vector<1x1x128x2048xf32>
    %swap3A_44 = vector.shape_cast %swap3A_43 : vector<1x1x128x2048xf32> to vector<128x2048xf32>
    %swap3A_45 = vector.shape_cast %get3A_38 : vector<128x2048xf32> to vector<1x1x128x2048xf32>
    tpu.vector_store %arg2[%swap3A_39, %swap3A_40, %swap3A_41, %swap3A_42], %swap3A_45 {strides = array<i32>} : memref<1x1x2048x2048xf32, #tpu.memory_space<vmem>>, vector<1x1x128x2048xf32>,
    %get3A_46 = arith.constant 0 : index
    %get3A_47 = arith.constant 0 : index
    %get3A_48 = arith.constant 1408 : index
    %get3A_49 = vector.load %arg1[%get3A_46, %get3A_47, %get3A_48] : memref<1x128x3968xf32, #tpu.memory_space<vmem>>, vector<1x128x2048xf32>
    %get3A_50 = vector.shape_cast %get3A_49 : vector<1x128x2048xf32> to vector<128x2048xf32>
    %swap3A_51 = arith.constant 0 : index
    %swap3A_52 = arith.constant 0 : index
    %swap3A_53 = arith.constant 512 : index
    %swap3A_54 = arith.constant 0 : index
    %swap3A_55 = vector.load %arg2[%swap3A_51, %swap3A_52, %swap3A_53, %swap3A_54] : memref<1x1x2048x2048xf32, #tpu.memory_space<vmem>>, vector<1x1x128x2048xf32>
    %swap3A_56 = vector.shape_cast %swap3A_55 : vector<1x1x128x2048xf32> to vector<128x2048xf32>
    %swap3A_57 = vector.shape_cast %get3A_50 : vector<128x2048xf32> to vector<1x1x128x2048xf32>
    tpu.vector_store %arg2[%swap3A_51, %swap3A_52, %swap3A_53, %swap3A_54], %swap3A_57 {strides = array<i32>} : memref<1x1x2048x2048xf32, #tpu.memory_space<vmem>>, vector<1x1x128x2048xf32>,
    %get3A_58 = arith.constant 0 : index
    %get3A_59 = arith.constant 0 : index
    %get3A_60 = arith.constant 1280 : index
    %get3A_61 = vector.load %arg1[%get3A_58, %get3A_59, %get3A_60] : memref<1x128x3968xf32, #tpu.memory_space<vmem>>, vector<1x128x2048xf32>
    %get3A_62 = vector.shape_cast %get3A_61 : vector<1x128x2048xf32> to vector<128x2048xf32>
    %swap3A_63 = arith.constant 0 : index
    %swap3A_64 = arith.constant 0 : index
    %swap3A_65 = arith.constant 640 : index
    %swap3A_66 = arith.constant 0 : index
    %swap3A_67 = vector.load %arg2[%swap3A_63, %swap3A_64, %swap3A_65, %swap3A_66] : memref<1x1x2048x2048xf32, #tpu.memory_space<vmem>>, vector<1x1x128x2048xf32>
    %swap3A_68 = vector.shape_cast %swap3A_67 : vector<1x1x128x2048xf32> to vector<128x2048xf32>
    %swap3A_69 = vector.shape_cast %get3A_62 : vector<128x2048xf32> to vector<1x1x128x2048xf32>
    tpu.vector_store %arg2[%swap3A_63, %swap3A_64, %swap3A_65, %swap3A_66], %swap3A_69 {strides = array<i32>} : memref<1x1x2048x2048xf32, #tpu.memory_space<vmem>>, vector<1x1x128x2048xf32>,
    %get3A_70 = arith.constant 0 : index
    %get3A_71 = arith.constant 0 : index
    %get3A_72 = arith.constant 1152 : index
    %get3A_73 = vector.load %arg1[%get3A_70, %get3A_71, %get3A_72] : memref<1x128x3968xf32, #tpu.memory_space<vmem>>, vector<1x128x2048xf32>
    %get3A_74 = vector.shape_cast %get3A_73 : vector<1x128x2048xf32> to vector<128x2048xf32>
    %swap3A_75 = arith.constant 0 : index
    %swap3A_76 = arith.constant 0 : index
    %swap3A_77 = arith.constant 768 : index
    %swap3A_78 = arith.constant 0 : index
    %swap3A_79 = vector.load %arg2[%swap3A_75, %swap3A_76, %swap3A_77, %swap3A_78] : memref<1x1x2048x2048xf32, #tpu.memory_space<vmem>>, vector<1x1x128x2048xf32>
    %swap3A_80 = vector.shape_cast %swap3A_79 : vector<1x1x128x2048xf32> to vector<128x2048xf32>
    %swap3A_81 = vector.shape_cast %get3A_74 : vector<128x2048xf32> to vector<1x1x128x2048xf32>
    tpu.vector_store %arg2[%swap3A_75, %swap3A_76, %swap3A_77, %swap3A_78], %swap3A_81 {strides = array<i32>} : memref<1x1x2048x2048xf32, #tpu.memory_space<vmem>>, vector<1x1x128x2048xf32>,
    %get3A_82 = arith.constant 0 : index
    %get3A_83 = arith.constant 0 : index
    %get3A_84 = arith.constant 1024 : index
    %get3A_85 = vector.load %arg1[%get3A_82, %get3A_83, %get3A_84] : memref<1x128x3968xf32, #tpu.memory_space<vmem>>, vector<1x128x2048xf32>
    %get3A_86 = vector.shape_cast %get3A_85 : vector<1x128x2048xf32> to vector<128x2048xf32>
    %swap3A_87 = arith.constant 0 : index
    %swap3A_88 = arith.constant 0 : index
    %swap3A_89 = arith.constant 896 : index
    %swap3A_90 = arith.constant 0 : index
    %swap3A_91 = vector.load %arg2[%swap3A_87, %swap3A_88, %swap3A_89, %swap3A_90] : memref<1x1x2048x2048xf32, #tpu.memory_space<vmem>>, vector<1x1x128x2048xf32>
    %swap3A_92 = vector.shape_cast %swap3A_91 : vector<1x1x128x2048xf32> to vector<128x2048xf32>
    %swap3A_93 = vector.shape_cast %get3A_86 : vector<128x2048xf32> to vector<1x1x128x2048xf32>
    tpu.vector_store %arg2[%swap3A_87, %swap3A_88, %swap3A_89, %swap3A_90], %swap3A_93 {strides = array<i32>} : memref<1x1x2048x2048xf32, #tpu.memory_space<vmem>>, vector<1x1x128x2048xf32>,
    %get3A_94 = arith.constant 0 : index
    %get3A_95 = arith.constant 0 : index
    %get3A_96 = arith.constant 896 : index
    %get3A_97 = vector.load %arg1[%get3A_94, %get3A_95, %get3A_96] : memref<1x128x3968xf32, #tpu.memory_space<vmem>>, vector<1x128x2048xf32>
    %get3A_98 = vector.shape_cast %get3A_97 : vector<1x128x2048xf32> to vector<128x2048xf32>
    %swap3A_99 = arith.constant 0 : index
    %swap3A_100 = arith.constant 0 : index
    %swap3A_101 = arith.constant 1024 : index
    %swap3A_102 = arith.constant 0 : index
    %swap3A_103 = vector.load %arg2[%swap3A_99, %swap3A_100, %swap3A_101, %swap3A_102] : memref<1x1x2048x2048xf32, #tpu.memory_space<vmem>>, vector<1x1x128x2048xf32>
    %swap3A_104 = vector.shape_cast %swap3A_103 : vector<1x1x128x2048xf32> to vector<128x2048xf32>
    %swap3A_105 = vector.shape_cast %get3A_98 : vector<128x2048xf32> to vector<1x1x128x2048xf32>
    tpu.vector_store %arg2[%swap3A_99, %swap3A_100, %swap3A_101, %swap3A_102], %swap3A_105 {strides = array<i32>} : memref<1x1x2048x2048xf32, #tpu.memory_space<vmem>>, vector<1x1x128x2048xf32>,
    %get3A_106 = arith.constant 0 : index
    %get3A_107 = arith.constant 0 : index
    %get3A_108 = arith.constant 768 : index
    %get3A_109 = vector.load %arg1[%get3A_106, %get3A_107, %get3A_108] : memref<1x128x3968xf32, #tpu.memory_space<vmem>>, vector<1x128x2048xf32>
    %get3A_110 = vector.shape_cast %get3A_109 : vector<1x128x2048xf32> to vector<128x2048xf32>
    %swap3A_111 = arith.constant 0 : index
    %swap3A_112 = arith.constant 0 : index
    %swap3A_113 = arith.constant 1152 : index
    %swap3A_114 = arith.constant 0 : index
    %swap3A_115 = vector.load %arg2[%swap3A_111, %swap3A_112, %swap3A_113, %swap3A_114] : memref<1x1x2048x2048xf32, #tpu.memory_space<vmem>>, vector<1x1x128x2048xf32>
    %swap3A_116 = vector.shape_cast %swap3A_115 : vector<1x1x128x2048xf32> to vector<128x2048xf32>
    %swap3A_117 = vector.shape_cast %get3A_110 : vector<128x2048xf32> to vector<1x1x128x2048xf32>
    tpu.vector_store %arg2[%swap3A_111, %swap3A_112, %swap3A_113, %swap3A_114], %swap3A_117 {strides = array<i32>} : memref<1x1x2048x2048xf32, #tpu.memory_space<vmem>>, vector<1x1x128x2048xf32>,
    %get3A_118 = arith.constant 0 : index
    %get3A_119 = arith.constant 0 : index
    %get3A_120 = arith.constant 640 : index
    %get3A_121 = vector.load %arg1[%get3A_118, %get3A_119, %get3A_120] : memref<1x128x3968xf32, #tpu.memory_space<vmem>>, vector<1x128x2048xf32>
    %get3A_122 = vector.shape_cast %get3A_121 : vector<1x128x2048xf32> to vector<128x2048xf32>
    %swap3A_123 = arith.constant 0 : index
    %swap3A_124 = arith.constant 0 : index
    %swap3A_125 = arith.constant 1280 : index
    %swap3A_126 = arith.constant 0 : index
    %swap3A_127 = vector.load %arg2[%swap3A_123, %swap3A_124, %swap3A_125, %swap3A_126] : memref<1x1x2048x2048xf32, #tpu.memory_space<vmem>>, vector<1x1x128x2048xf32>
    %swap3A_128 = vector.shape_cast %swap3A_127 : vector<1x1x128x2048xf32> to vector<128x2048xf32>
    %swap3A_129 = vector.shape_cast %get3A_122 : vector<128x2048xf32> to vector<1x1x128x2048xf32>
    tpu.vector_store %arg2[%swap3A_123, %swap3A_124, %swap3A_125, %swap3A_126], %swap3A_129 {strides = array<i32>} : memref<1x1x2048x2048xf32, #tpu.memory_space<vmem>>, vector<1x1x128x2048xf32>,
    %get3A_130 = arith.constant 0 : index
    %get3A_131 = arith.constant 0 : index
    %get3A_132 = arith.constant 512 : index
    %get3A_133 = vector.load %arg1[%get3A_130, %get3A_131, %get3A_132] : memref<1x128x3968xf32, #tpu.memory_space<vmem>>, vector<1x128x2048xf32>
    %get3A_134 = vector.shape_cast %get3A_133 : vector<1x128x2048xf32> to vector<128x2048xf32>
    %swap3A_135 = arith.constant 0 : index
    %swap3A_136 = arith.constant 0 : index
    %swap3A_137 = arith.constant 1408 : index
    %swap3A_138 = arith.constant 0 : index
    %swap3A_139 = vector.load %arg2[%swap3A_135, %swap3A_136, %swap3A_137, %swap3A_138] : memref<1x1x2048x2048xf32, #tpu.memory_space<vmem>>, vector<1x1x128x2048xf32>
    %swap3A_140 = vector.shape_cast %swap3A_139 : vector<1x1x128x2048xf32> to vector<128x2048xf32>
    %swap3A_141 = vector.shape_cast %get3A_134 : vector<128x2048xf32> to vector<1x1x128x2048xf32>
    tpu.vector_store %arg2[%swap3A_135, %swap3A_136, %swap3A_137, %swap3A_138], %swap3A_141 {strides = array<i32>} : memref<1x1x2048x2048xf32, #tpu.memory_space<vmem>>, vector<1x1x128x2048xf32>,
    %get3A_142 = arith.constant 0 : index
    %get3A_143 = arith.constant 0 : index
    %get3A_144 = arith.constant 384 : index
    %get3A_145 = vector.load %arg1[%get3A_142, %get3A_143, %get3A_144] : memref<1x128x3968xf32, #tpu.memory_space<vmem>>, vector<1x128x2048xf32>
    %get3A_146 = vector.shape_cast %get3A_145 : vector<1x128x2048xf32> to vector<128x2048xf32>
    %swap3A_147 = arith.constant 0 : index
    %swap3A_148 = arith.constant 0 : index
    %swap3A_149 = arith.constant 1536 : index
    %swap3A_150 = arith.constant 0 : index
    %swap3A_151 = vector.load %arg2[%swap3A_147, %swap3A_148, %swap3A_149, %swap3A_150] : memref<1x1x2048x2048xf32, #tpu.memory_space<vmem>>, vector<1x1x128x2048xf32>
    %swap3A_152 = vector.shape_cast %swap3A_151 : vector<1x1x128x2048xf32> to vector<128x2048xf32>
    %swap3A_153 = vector.shape_cast %get3A_146 : vector<128x2048xf32> to vector<1x1x128x2048xf32>
    tpu.vector_store %arg2[%swap3A_147, %swap3A_148, %swap3A_149, %swap3A_150], %swap3A_153 {strides = array<i32>} : memref<1x1x2048x2048xf32, #tpu.memory_space<vmem>>, vector<1x1x128x2048xf32>,
    %get3A_154 = arith.constant 0 : index
    %get3A_155 = arith.constant 0 : index
    %get3A_156 = arith.constant 256 : index
    %get3A_157 = vector.load %arg1[%get3A_154, %get3A_155, %get3A_156] : memref<1x128x3968xf32, #tpu.memory_space<vmem>>, vector<1x128x2048xf32>
    %get3A_158 = vector.shape_cast %get3A_157 : vector<1x128x2048xf32> to vector<128x2048xf32>
    %swap3A_159 = arith.constant 0 : index
    %swap3A_160 = arith.constant 0 : index
    %swap3A_161 = arith.constant 1664 : index
    %swap3A_162 = arith.constant 0 : index
    %swap3A_163 = vector.load %arg2[%swap3A_159, %swap3A_160, %swap3A_161, %swap3A_162] : memref<1x1x2048x2048xf32, #tpu.memory_space<vmem>>, vector<1x1x128x2048xf32>
    %swap3A_164 = vector.shape_cast %swap3A_163 : vector<1x1x128x2048xf32> to vector<128x2048xf32>
    %swap3A_165 = vector.shape_cast %get3A_158 : vector<128x2048xf32> to vector<1x1x128x2048xf32>
    tpu.vector_store %arg2[%swap3A_159, %swap3A_160, %swap3A_161, %swap3A_162], %swap3A_165 {strides = array<i32>} : memref<1x1x2048x2048xf32, #tpu.memory_space<vmem>>, vector<1x1x128x2048xf32>,
    %get3A_166 = arith.constant 0 : index
    %get3A_167 = arith.constant 0 : index
    %get3A_168 = arith.constant 128 : index
    %get3A_169 = vector.load %arg1[%get3A_166, %get3A_167, %get3A_168] : memref<1x128x3968xf32, #tpu.memory_space<vmem>>, vector<1x128x2048xf32>
    %get3A_170 = vector.shape_cast %get3A_169 : vector<1x128x2048xf32> to vector<128x2048xf32>
    %swap3A_171 = arith.constant 0 : index
    %swap3A_172 = arith.constant 0 : index
    %swap3A_173 = arith.constant 1792 : index
    %swap3A_174 = arith.constant 0 : index
    %swap3A_175 = vector.load %arg2[%swap3A_171, %swap3A_172, %swap3A_173, %swap3A_174] : memref<1x1x2048x2048xf32, #tpu.memory_space<vmem>>, vector<1x1x128x2048xf32>
    %swap3A_176 = vector.shape_cast %swap3A_175 : vector<1x1x128x2048xf32> to vector<128x2048xf32>
    %swap3A_177 = vector.shape_cast %get3A_170 : vector<128x2048xf32> to vector<1x1x128x2048xf32>
    tpu.vector_store %arg2[%swap3A_171, %swap3A_172, %swap3A_173, %swap3A_174], %swap3A_177 {strides = array<i32>} : memref<1x1x2048x2048xf32, #tpu.memory_space<vmem>>, vector<1x1x128x2048xf32>,
    %get3A_178 = arith.constant 0 : index
    %get3A_179 = arith.constant 0 : index
    %get3A_180 = arith.constant 0 : index
    %get3A_181 = vector.load %arg1[%get3A_178, %get3A_179, %get3A_180] : memref<1x128x3968xf32, #tpu.memory_space<vmem>>, vector<1x128x2048xf32>
    %get3A_182 = vector.shape_cast %get3A_181 : vector<1x128x2048xf32> to vector<128x2048xf32>
    %swap3A_183 = arith.constant 0 : index
    %swap3A_184 = arith.constant 0 : index
    %swap3A_185 = arith.constant 1920 : index
    %swap3A_186 = arith.constant 0 : index
    %swap3A_187 = vector.load %arg2[%swap3A_183, %swap3A_184, %swap3A_185, %swap3A_186] : memref<1x1x2048x2048xf32, #tpu.memory_space<vmem>>, vector<1x1x128x2048xf32>
    %swap3A_188 = vector.shape_cast %swap3A_187 : vector<1x1x128x2048xf32> to vector<128x2048xf32>
    %swap3A_189 = vector.shape_cast %get3A_182 : vector<128x2048xf32> to vector<1x1x128x2048xf32>
    tpu.vector_store %arg2[%swap3A_183, %swap3A_184, %swap3A_185, %swap3A_186], %swap3A_189 {strides = array<i32>} : memref<1x1x2048x2048xf32, #tpu.memory_space<vmem>>, vector<1x1x128x2048xf32>,
    return
  }
  func.func @transform_0(%arg0: i32) -> (i32, i32, i32) {
    %c0_i32 = arith.constant 0 : i32
    %c0_i32_0 = arith.constant 0 : i32
    %c0_i32_1 = arith.constant 0 : i32
    return %arg0, %c0_i32, %c0_i32_0 : i32, i32, i32
  }
  func.func @transform_1(%arg0: i32) -> (i32, i32, i32, i32) {
    %add3A = arith.constant 0 : i32
    %add3A_0 = arith.addi %add3A, %arg0 : i32
    %c0_i32 = arith.constant 0 : i32
    %c0_i32_1 = arith.constant 0 : i32
    %c0_i32_2 = arith.constant 0 : i32
    %c0_i32_3 = arith.constant 0 : i32
    return %c0_i32, %add3A_0, %c0_i32_1, %c0_i32_2 : i32, i32, i32, i32
  }
}

module attributes {stable_mosaic.version = 14 : i64} {
  func.func @_expand_kernel_second(%arg0: i32, %arg1: memref<1x128x3968xf32, #tpu.memory_space<vmem>>, %arg2: memref<1x12x2048x2048xf32, #tpu.memory_space<hbm>>, %arg3: memref<1x1x2048x2048xf32, #tpu.memory_space<vmem>>) attributes {dimension_semantics = [#tpu.dimension_semantics<arbitrary>], iteration_bounds = array<i64: 6>, scalar_prefetch = 0 : i64, scratch_operands = 0 : i64, tpu.core_type = #tpu.core_type<tc>, window_params = [{transform_indices = @transform_0, window_bounds = array<i64: 1, 128, 3968>}, {}, {transform_indices = @transform_2, window_bounds = array<i64: 1, 1, 2048, 2048>}]} {
    %get3A = arith.constant 0 : index
    %get3A_0 = arith.constant 0 : index
    %get3A_1 = arith.constant 1920 : index
    %get3A_2 = vector.load %arg1[%get3A, %get3A_0, %get3A_1] : memref<1x128x3968xf32, #tpu.memory_space<vmem>>, vector<1x128x2048xf32>
    %get3A_3 = vector.shape_cast %get3A_2 : vector<1x128x2048xf32> to vector<128x2048xf32>
    %swap3A = arith.constant 0 : index
    %swap3A_4 = arith.constant 0 : index
    %swap3A_5 = arith.constant 0 : index
    %swap3A_6 = arith.constant 0 : index
    %swap3A_7 = vector.load %arg3[%swap3A, %swap3A_4, %swap3A_5, %swap3A_6] : memref<1x1x2048x2048xf32, #tpu.memory_space<vmem>>, vector<1x1x128x2048xf32>
    %swap3A_8 = vector.shape_cast %swap3A_7 : vector<1x1x128x2048xf32> to vector<128x2048xf32>
    %swap3A_9 = vector.shape_cast %get3A_3 : vector<128x2048xf32> to vector<1x1x128x2048xf32>
    tpu.vector_store %arg3[%swap3A, %swap3A_4, %swap3A_5, %swap3A_6], %swap3A_9 {strides = array<i32>} : memref<1x1x2048x2048xf32, #tpu.memory_space<vmem>>, vector<1x1x128x2048xf32>,
    %get3A_10 = arith.constant 0 : index
    %get3A_11 = arith.constant 0 : index
    %get3A_12 = arith.constant 1792 : index
    %get3A_13 = vector.load %arg1[%get3A_10, %get3A_11, %get3A_12] : memref<1x128x3968xf32, #tpu.memory_space<vmem>>, vector<1x128x2048xf32>
    %get3A_14 = vector.shape_cast %get3A_13 : vector<1x128x2048xf32> to vector<128x2048xf32>
    %swap3A_15 = arith.constant 0 : index
    %swap3A_16 = arith.constant 0 : index
    %swap3A_17 = arith.constant 128 : index
    %swap3A_18 = arith.constant 0 : index
    %swap3A_19 = vector.load %arg3[%swap3A_15, %swap3A_16, %swap3A_17, %swap3A_18] : memref<1x1x2048x2048xf32, #tpu.memory_space<vmem>>, vector<1x1x128x2048xf32>
    %swap3A_20 = vector.shape_cast %swap3A_19 : vector<1x1x128x2048xf32> to vector<128x2048xf32>
    %swap3A_21 = vector.shape_cast %get3A_14 : vector<128x2048xf32> to vector<1x1x128x2048xf32>
    tpu.vector_store %arg3[%swap3A_15, %swap3A_16, %swap3A_17, %swap3A_18], %swap3A_21 {strides = array<i32>} : memref<1x1x2048x2048xf32, #tpu.memory_space<vmem>>, vector<1x1x128x2048xf32>,
    %get3A_22 = arith.constant 0 : index
    %get3A_23 = arith.constant 0 : index
    %get3A_24 = arith.constant 1664 : index
    %get3A_25 = vector.load %arg1[%get3A_22, %get3A_23, %get3A_24] : memref<1x128x3968xf32, #tpu.memory_space<vmem>>, vector<1x128x2048xf32>
    %get3A_26 = vector.shape_cast %get3A_25 : vector<1x128x2048xf32> to vector<128x2048xf32>
    %swap3A_27 = arith.constant 0 : index
    %swap3A_28 = arith.constant 0 : index
    %swap3A_29 = arith.constant 256 : index
    %swap3A_30 = arith.constant 0 : index
    %swap3A_31 = vector.load %arg3[%swap3A_27, %swap3A_28, %swap3A_29, %swap3A_30] : memref<1x1x2048x2048xf32, #tpu.memory_space<vmem>>, vector<1x1x128x2048xf32>
    %swap3A_32 = vector.shape_cast %swap3A_31 : vector<1x1x128x2048xf32> to vector<128x2048xf32>
    %swap3A_33 = vector.shape_cast %get3A_26 : vector<128x2048xf32> to vector<1x1x128x2048xf32>
    tpu.vector_store %arg3[%swap3A_27, %swap3A_28, %swap3A_29, %swap3A_30], %swap3A_33 {strides = array<i32>} : memref<1x1x2048x2048xf32, #tpu.memory_space<vmem>>, vector<1x1x128x2048xf32>,
    %get3A_34 = arith.constant 0 : index
    %get3A_35 = arith.constant 0 : index
    %get3A_36 = arith.constant 1536 : index
    %get3A_37 = vector.load %arg1[%get3A_34, %get3A_35, %get3A_36] : memref<1x128x3968xf32, #tpu.memory_space<vmem>>, vector<1x128x2048xf32>
    %get3A_38 = vector.shape_cast %get3A_37 : vector<1x128x2048xf32> to vector<128x2048xf32>
    %swap3A_39 = arith.constant 0 : index
    %swap3A_40 = arith.constant 0 : index
    %swap3A_41 = arith.constant 384 : index
    %swap3A_42 = arith.constant 0 : index
    %swap3A_43 = vector.load %arg3[%swap3A_39, %swap3A_40, %swap3A_41, %swap3A_42] : memref<1x1x2048x2048xf32, #tpu.memory_space<vmem>>, vector<1x1x128x2048xf32>
    %swap3A_44 = vector.shape_cast %swap3A_43 : vector<1x1x128x2048xf32> to vector<128x2048xf32>
    %swap3A_45 = vector.shape_cast %get3A_38 : vector<128x2048xf32> to vector<1x1x128x2048xf32>
    tpu.vector_store %arg3[%swap3A_39, %swap3A_40, %swap3A_41, %swap3A_42], %swap3A_45 {strides = array<i32>} : memref<1x1x2048x2048xf32, #tpu.memory_space<vmem>>, vector<1x1x128x2048xf32>,
    %get3A_46 = arith.constant 0 : index
    %get3A_47 = arith.constant 0 : index
    %get3A_48 = arith.constant 1408 : index
    %get3A_49 = vector.load %arg1[%get3A_46, %get3A_47, %get3A_48] : memref<1x128x3968xf32, #tpu.memory_space<vmem>>, vector<1x128x2048xf32>
    %get3A_50 = vector.shape_cast %get3A_49 : vector<1x128x2048xf32> to vector<128x2048xf32>
    %swap3A_51 = arith.constant 0 : index
    %swap3A_52 = arith.constant 0 : index
    %swap3A_53 = arith.constant 512 : index
    %swap3A_54 = arith.constant 0 : index
    %swap3A_55 = vector.load %arg3[%swap3A_51, %swap3A_52, %swap3A_53, %swap3A_54] : memref<1x1x2048x2048xf32, #tpu.memory_space<vmem>>, vector<1x1x128x2048xf32>
    %swap3A_56 = vector.shape_cast %swap3A_55 : vector<1x1x128x2048xf32> to vector<128x2048xf32>
    %swap3A_57 = vector.shape_cast %get3A_50 : vector<128x2048xf32> to vector<1x1x128x2048xf32>
    tpu.vector_store %arg3[%swap3A_51, %swap3A_52, %swap3A_53, %swap3A_54], %swap3A_57 {strides = array<i32>} : memref<1x1x2048x2048xf32, #tpu.memory_space<vmem>>, vector<1x1x128x2048xf32>,
    %get3A_58 = arith.constant 0 : index
    %get3A_59 = arith.constant 0 : index
    %get3A_60 = arith.constant 1280 : index
    %get3A_61 = vector.load %arg1[%get3A_58, %get3A_59, %get3A_60] : memref<1x128x3968xf32, #tpu.memory_space<vmem>>, vector<1x128x2048xf32>
    %get3A_62 = vector.shape_cast %get3A_61 : vector<1x128x2048xf32> to vector<128x2048xf32>
    %swap3A_63 = arith.constant 0 : index
    %swap3A_64 = arith.constant 0 : index
    %swap3A_65 = arith.constant 640 : index
    %swap3A_66 = arith.constant 0 : index
    %swap3A_67 = vector.load %arg3[%swap3A_63, %swap3A_64, %swap3A_65, %swap3A_66] : memref<1x1x2048x2048xf32, #tpu.memory_space<vmem>>, vector<1x1x128x2048xf32>
    %swap3A_68 = vector.shape_cast %swap3A_67 : vector<1x1x128x2048xf32> to vector<128x2048xf32>
    %swap3A_69 = vector.shape_cast %get3A_62 : vector<128x2048xf32> to vector<1x1x128x2048xf32>
    tpu.vector_store %arg3[%swap3A_63, %swap3A_64, %swap3A_65, %swap3A_66], %swap3A_69 {strides = array<i32>} : memref<1x1x2048x2048xf32, #tpu.memory_space<vmem>>, vector<1x1x128x2048xf32>,
    %get3A_70 = arith.constant 0 : index
    %get3A_71 = arith.constant 0 : index
    %get3A_72 = arith.constant 1152 : index
    %get3A_73 = vector.load %arg1[%get3A_70, %get3A_71, %get3A_72] : memref<1x128x3968xf32, #tpu.memory_space<vmem>>, vector<1x128x2048xf32>
    %get3A_74 = vector.shape_cast %get3A_73 : vector<1x128x2048xf32> to vector<128x2048xf32>
    %swap3A_75 = arith.constant 0 : index
    %swap3A_76 = arith.constant 0 : index
    %swap3A_77 = arith.constant 768 : index
    %swap3A_78 = arith.constant 0 : index
    %swap3A_79 = vector.load %arg3[%swap3A_75, %swap3A_76, %swap3A_77, %swap3A_78] : memref<1x1x2048x2048xf32, #tpu.memory_space<vmem>>, vector<1x1x128x2048xf32>
    %swap3A_80 = vector.shape_cast %swap3A_79 : vector<1x1x128x2048xf32> to vector<128x2048xf32>
    %swap3A_81 = vector.shape_cast %get3A_74 : vector<128x2048xf32> to vector<1x1x128x2048xf32>
    tpu.vector_store %arg3[%swap3A_75, %swap3A_76, %swap3A_77, %swap3A_78], %swap3A_81 {strides = array<i32>} : memref<1x1x2048x2048xf32, #tpu.memory_space<vmem>>, vector<1x1x128x2048xf32>,
    %get3A_82 = arith.constant 0 : index
    %get3A_83 = arith.constant 0 : index
    %get3A_84 = arith.constant 1024 : index
    %get3A_85 = vector.load %arg1[%get3A_82, %get3A_83, %get3A_84] : memref<1x128x3968xf32, #tpu.memory_space<vmem>>, vector<1x128x2048xf32>
    %get3A_86 = vector.shape_cast %get3A_85 : vector<1x128x2048xf32> to vector<128x2048xf32>
    %swap3A_87 = arith.constant 0 : index
    %swap3A_88 = arith.constant 0 : index
    %swap3A_89 = arith.constant 896 : index
    %swap3A_90 = arith.constant 0 : index
    %swap3A_91 = vector.load %arg3[%swap3A_87, %swap3A_88, %swap3A_89, %swap3A_90] : memref<1x1x2048x2048xf32, #tpu.memory_space<vmem>>, vector<1x1x128x2048xf32>
    %swap3A_92 = vector.shape_cast %swap3A_91 : vector<1x1x128x2048xf32> to vector<128x2048xf32>
    %swap3A_93 = vector.shape_cast %get3A_86 : vector<128x2048xf32> to vector<1x1x128x2048xf32>
    tpu.vector_store %arg3[%swap3A_87, %swap3A_88, %swap3A_89, %swap3A_90], %swap3A_93 {strides = array<i32>} : memref<1x1x2048x2048xf32, #tpu.memory_space<vmem>>, vector<1x1x128x2048xf32>,
    %get3A_94 = arith.constant 0 : index
    %get3A_95 = arith.constant 0 : index
    %get3A_96 = arith.constant 896 : index
    %get3A_97 = vector.load %arg1[%get3A_94, %get3A_95, %get3A_96] : memref<1x128x3968xf32, #tpu.memory_space<vmem>>, vector<1x128x2048xf32>
    %get3A_98 = vector.shape_cast %get3A_97 : vector<1x128x2048xf32> to vector<128x2048xf32>
    %swap3A_99 = arith.constant 0 : index
    %swap3A_100 = arith.constant 0 : index
    %swap3A_101 = arith.constant 1024 : index
    %swap3A_102 = arith.constant 0 : index
    %swap3A_103 = vector.load %arg3[%swap3A_99, %swap3A_100, %swap3A_101, %swap3A_102] : memref<1x1x2048x2048xf32, #tpu.memory_space<vmem>>, vector<1x1x128x2048xf32>
    %swap3A_104 = vector.shape_cast %swap3A_103 : vector<1x1x128x2048xf32> to vector<128x2048xf32>
    %swap3A_105 = vector.shape_cast %get3A_98 : vector<128x2048xf32> to vector<1x1x128x2048xf32>
    tpu.vector_store %arg3[%swap3A_99, %swap3A_100, %swap3A_101, %swap3A_102], %swap3A_105 {strides = array<i32>} : memref<1x1x2048x2048xf32, #tpu.memory_space<vmem>>, vector<1x1x128x2048xf32>,
    %get3A_106 = arith.constant 0 : index
    %get3A_107 = arith.constant 0 : index
    %get3A_108 = arith.constant 768 : index
    %get3A_109 = vector.load %arg1[%get3A_106, %get3A_107, %get3A_108] : memref<1x128x3968xf32, #tpu.memory_space<vmem>>, vector<1x128x2048xf32>
    %get3A_110 = vector.shape_cast %get3A_109 : vector<1x128x2048xf32> to vector<128x2048xf32>
    %swap3A_111 = arith.constant 0 : index
    %swap3A_112 = arith.constant 0 : index
    %swap3A_113 = arith.constant 1152 : index
    %swap3A_114 = arith.constant 0 : index
    %swap3A_115 = vector.load %arg3[%swap3A_111, %swap3A_112, %swap3A_113, %swap3A_114] : memref<1x1x2048x2048xf32, #tpu.memory_space<vmem>>, vector<1x1x128x2048xf32>
    %swap3A_116 = vector.shape_cast %swap3A_115 : vector<1x1x128x2048xf32> to vector<128x2048xf32>
    %swap3A_117 = vector.shape_cast %get3A_110 : vector<128x2048xf32> to vector<1x1x128x2048xf32>
    tpu.vector_store %arg3[%swap3A_111, %swap3A_112, %swap3A_113, %swap3A_114], %swap3A_117 {strides = array<i32>} : memref<1x1x2048x2048xf32, #tpu.memory_space<vmem>>, vector<1x1x128x2048xf32>,
    %get3A_118 = arith.constant 0 : index
    %get3A_119 = arith.constant 0 : index
    %get3A_120 = arith.constant 640 : index
    %get3A_121 = vector.load %arg1[%get3A_118, %get3A_119, %get3A_120] : memref<1x128x3968xf32, #tpu.memory_space<vmem>>, vector<1x128x2048xf32>
    %get3A_122 = vector.shape_cast %get3A_121 : vector<1x128x2048xf32> to vector<128x2048xf32>
    %swap3A_123 = arith.constant 0 : index
    %swap3A_124 = arith.constant 0 : index
    %swap3A_125 = arith.constant 1280 : index
    %swap3A_126 = arith.constant 0 : index
    %swap3A_127 = vector.load %arg3[%swap3A_123, %swap3A_124, %swap3A_125, %swap3A_126] : memref<1x1x2048x2048xf32, #tpu.memory_space<vmem>>, vector<1x1x128x2048xf32>
    %swap3A_128 = vector.shape_cast %swap3A_127 : vector<1x1x128x2048xf32> to vector<128x2048xf32>
    %swap3A_129 = vector.shape_cast %get3A_122 : vector<128x2048xf32> to vector<1x1x128x2048xf32>
    tpu.vector_store %arg3[%swap3A_123, %swap3A_124, %swap3A_125, %swap3A_126], %swap3A_129 {strides = array<i32>} : memref<1x1x2048x2048xf32, #tpu.memory_space<vmem>>, vector<1x1x128x2048xf32>,
    %get3A_130 = arith.constant 0 : index
    %get3A_131 = arith.constant 0 : index
    %get3A_132 = arith.constant 512 : index
    %get3A_133 = vector.load %arg1[%get3A_130, %get3A_131, %get3A_132] : memref<1x128x3968xf32, #tpu.memory_space<vmem>>, vector<1x128x2048xf32>
    %get3A_134 = vector.shape_cast %get3A_133 : vector<1x128x2048xf32> to vector<128x2048xf32>
    %swap3A_135 = arith.constant 0 : index
    %swap3A_136 = arith.constant 0 : index
    %swap3A_137 = arith.constant 1408 : index
    %swap3A_138 = arith.constant 0 : index
    %swap3A_139 = vector.load %arg3[%swap3A_135, %swap3A_136, %swap3A_137, %swap3A_138] : memref<1x1x2048x2048xf32, #tpu.memory_space<vmem>>, vector<1x1x128x2048xf32>
    %swap3A_140 = vector.shape_cast %swap3A_139 : vector<1x1x128x2048xf32> to vector<128x2048xf32>
    %swap3A_141 = vector.shape_cast %get3A_134 : vector<128x2048xf32> to vector<1x1x128x2048xf32>
    tpu.vector_store %arg3[%swap3A_135, %swap3A_136, %swap3A_137, %swap3A_138], %swap3A_141 {strides = array<i32>} : memref<1x1x2048x2048xf32, #tpu.memory_space<vmem>>, vector<1x1x128x2048xf32>,
    %get3A_142 = arith.constant 0 : index
    %get3A_143 = arith.constant 0 : index
    %get3A_144 = arith.constant 384 : index
    %get3A_145 = vector.load %arg1[%get3A_142, %get3A_143, %get3A_144] : memref<1x128x3968xf32, #tpu.memory_space<vmem>>, vector<1x128x2048xf32>
    %get3A_146 = vector.shape_cast %get3A_145 : vector<1x128x2048xf32> to vector<128x2048xf32>
    %swap3A_147 = arith.constant 0 : index
    %swap3A_148 = arith.constant 0 : index
    %swap3A_149 = arith.constant 1536 : index
    %swap3A_150 = arith.constant 0 : index
    %swap3A_151 = vector.load %arg3[%swap3A_147, %swap3A_148, %swap3A_149, %swap3A_150] : memref<1x1x2048x2048xf32, #tpu.memory_space<vmem>>, vector<1x1x128x2048xf32>
    %swap3A_152 = vector.shape_cast %swap3A_151 : vector<1x1x128x2048xf32> to vector<128x2048xf32>
    %swap3A_153 = vector.shape_cast %get3A_146 : vector<128x2048xf32> to vector<1x1x128x2048xf32>
    tpu.vector_store %arg3[%swap3A_147, %swap3A_148, %swap3A_149, %swap3A_150], %swap3A_153 {strides = array<i32>} : memref<1x1x2048x2048xf32, #tpu.memory_space<vmem>>, vector<1x1x128x2048xf32>,
    %get3A_154 = arith.constant 0 : index
    %get3A_155 = arith.constant 0 : index
    %get3A_156 = arith.constant 256 : index
    %get3A_157 = vector.load %arg1[%get3A_154, %get3A_155, %get3A_156] : memref<1x128x3968xf32, #tpu.memory_space<vmem>>, vector<1x128x2048xf32>
    %get3A_158 = vector.shape_cast %get3A_157 : vector<1x128x2048xf32> to vector<128x2048xf32>
    %swap3A_159 = arith.constant 0 : index
    %swap3A_160 = arith.constant 0 : index
    %swap3A_161 = arith.constant 1664 : index
    %swap3A_162 = arith.constant 0 : index
    %swap3A_163 = vector.load %arg3[%swap3A_159, %swap3A_160, %swap3A_161, %swap3A_162] : memref<1x1x2048x2048xf32, #tpu.memory_space<vmem>>, vector<1x1x128x2048xf32>
    %swap3A_164 = vector.shape_cast %swap3A_163 : vector<1x1x128x2048xf32> to vector<128x2048xf32>
    %swap3A_165 = vector.shape_cast %get3A_158 : vector<128x2048xf32> to vector<1x1x128x2048xf32>
    tpu.vector_store %arg3[%swap3A_159, %swap3A_160, %swap3A_161, %swap3A_162], %swap3A_165 {strides = array<i32>} : memref<1x1x2048x2048xf32, #tpu.memory_space<vmem>>, vector<1x1x128x2048xf32>,
    %get3A_166 = arith.constant 0 : index
    %get3A_167 = arith.constant 0 : index
    %get3A_168 = arith.constant 128 : index
    %get3A_169 = vector.load %arg1[%get3A_166, %get3A_167, %get3A_168] : memref<1x128x3968xf32, #tpu.memory_space<vmem>>, vector<1x128x2048xf32>
    %get3A_170 = vector.shape_cast %get3A_169 : vector<1x128x2048xf32> to vector<128x2048xf32>
    %swap3A_171 = arith.constant 0 : index
    %swap3A_172 = arith.constant 0 : index
    %swap3A_173 = arith.constant 1792 : index
    %swap3A_174 = arith.constant 0 : index
    %swap3A_175 = vector.load %arg3[%swap3A_171, %swap3A_172, %swap3A_173, %swap3A_174] : memref<1x1x2048x2048xf32, #tpu.memory_space<vmem>>, vector<1x1x128x2048xf32>
    %swap3A_176 = vector.shape_cast %swap3A_175 : vector<1x1x128x2048xf32> to vector<128x2048xf32>
    %swap3A_177 = vector.shape_cast %get3A_170 : vector<128x2048xf32> to vector<1x1x128x2048xf32>
    tpu.vector_store %arg3[%swap3A_171, %swap3A_172, %swap3A_173, %swap3A_174], %swap3A_177 {strides = array<i32>} : memref<1x1x2048x2048xf32, #tpu.memory_space<vmem>>, vector<1x1x128x2048xf32>,
    %get3A_178 = arith.constant 0 : index
    %get3A_179 = arith.constant 0 : index
    %get3A_180 = arith.constant 0 : index
    %get3A_181 = vector.load %arg1[%get3A_178, %get3A_179, %get3A_180] : memref<1x128x3968xf32, #tpu.memory_space<vmem>>, vector<1x128x2048xf32>
    %get3A_182 = vector.shape_cast %get3A_181 : vector<1x128x2048xf32> to vector<128x2048xf32>
    %swap3A_183 = arith.constant 0 : index
    %swap3A_184 = arith.constant 0 : index
    %swap3A_185 = arith.constant 1920 : index
    %swap3A_186 = arith.constant 0 : index
    %swap3A_187 = vector.load %arg3[%swap3A_183, %swap3A_184, %swap3A_185, %swap3A_186] : memref<1x1x2048x2048xf32, #tpu.memory_space<vmem>>, vector<1x1x128x2048xf32>
    %swap3A_188 = vector.shape_cast %swap3A_187 : vector<1x1x128x2048xf32> to vector<128x2048xf32>
    %swap3A_189 = vector.shape_cast %get3A_182 : vector<128x2048xf32> to vector<1x1x128x2048xf32>
    tpu.vector_store %arg3[%swap3A_183, %swap3A_184, %swap3A_185, %swap3A_186], %swap3A_189 {strides = array<i32>} : memref<1x1x2048x2048xf32, #tpu.memory_space<vmem>>, vector<1x1x128x2048xf32>,
    return
  }
  func.func @transform_0(%arg0: i32) -> (i32, i32, i32) {
    %c0_i32 = arith.constant 0 : i32
    %c0_i32_0 = arith.constant 0 : i32
    %c0_i32_1 = arith.constant 0 : i32
    return %arg0, %c0_i32, %c0_i32_0 : i32, i32, i32
  }
  func.func @transform_2(%arg0: i32) -> (i32, i32, i32, i32) {
    %add3A = arith.constant 6 : i32
    %add3A_0 = arith.addi %add3A, %arg0 : i32
    %c0_i32 = arith.constant 0 : i32
    %c0_i32_1 = arith.constant 0 : i32
    %c0_i32_2 = arith.constant 0 : i32
    %c0_i32_3 = arith.constant 0 : i32
    return %c0_i32, %add3A_0, %c0_i32_1, %c0_i32_2 : i32, i32, i32, i32
  }
}

</mosaic_0001>

<sc_bundles>
// kernel: kernel.10.cloned.1.call-start
scs
__scs_entry_jumppad:
0x0: {  	(pc) =	sbr.rel $0x88, $3  }
0x1: {  	(tag) =	ssettag $0x0;
	lr =	simm.s32 $0x1  }
0x2: {  	[smem:$0x3F9F] =	sst lr;
	_ =	strace $0xD0000000  }
0x3: {  	_ = 	snop  }
0x4: {  	_ = 	snop  }
0x5: {  	_ = 	snop  }
0x6: {  	_ = 	snop  }
0x7: {  	_ = 	snop  }
__scs_overlays_trampoline_lowered:
0x8: {  	[smem:$0x3FAE] =	sst s0  }
0x9: {  	[smem:$0x3FAF] =	sst s1  }
0xa: {  	[smem:$0x3FB0] =	sst s2  }
0xb: {  	[smem:$0x3FB1] =	sst s3  }
0xc: {  	[smem:$0x3FB2] =	sst s4  }
0xd: {  	[smem:$0x3FB3] =	sst s5  }
0xe: {  	[smem:$0x3FB4] =	sst s6  }
0xf: {  	[smem:$0x3FB5] =	sst s7  }
0x10: {  	[smem:$0x3FB6] =	sst s8  }
0x11: {  	[smem:$0x3FB7] =	sst s9;
	s0 =	simm.s32 @!p0 $0x0  }
0x12: {  	s1 =	sld [smem:$0x3F9D];
	s0 =	simm.s32 @p0 $0x1  }
0x13: {  	[smem:$0x3FB8] =	sst s0;
	s0 =	simm.s32 @!p1 $0x0  }
0x14: {  	s2 =	sld [smem:$0x3F9C];
	s0 =	simm.s32 @p1 $0x1  }
0x15: {  	[smem:$0x3FB9] =	sst s0;
	s0 =	simm.s32 @!p2 $0x0  }
0x16: {  	s3 =	sld [smem:$0x3FDB];
	s0 =	simm.s32 @p2 $0x1  }
0x17: {  	s4 =	simm.s32 $0x1BF5;
	[smem:$0x3FBB] =	sst s0  }
0x18: {  	s0 =	sld [smem:$0x3F9E];
	_ =	swait.ge [sflag:s4], $0x0  }
0x19: {  	s7 =	sld [smem:$0x3F9F]  }
0x1a: {  	s8 =	sadd.s32 $0xFFFFE003, lr  }
0x1b: {  	s9 =	sadd.s32 $0xFFFFFEF7, lr;
	s5 =	simm.s32 $0xFFFFFFFF;
	p2 =	slt.u32 s8, $0xFFFFF086  }
0x1c: {  	p1 =	slt.u32 s9, $0xF7A;
	s5 =	simm.s32 @!p2 $0x0  }
0x1d: {  	s5 =	simm.s32 @p1 $0x1;
	p0 =	seq.s32 s7, s2  }
0x1e: {  	s7 =	smul.u32 @!p0 $0xF7A, s2;
	p2 =	seq.s32 @!p0 s5, $0x0  }
0x1f: {  	s9 =	smul.u32 $0xF7A, s1;
	s8 =	simm.s32 @!p0 $0x1BF5;
	p2 =	por !p2, p0  }
0x20: {  	[sflag:s8] =	ssyncset.s32 @!p0 $0xFFFFF086;
	s6 =	sadd.s32 @!p0 s3, s7;
	s7 =	simm.s32 @!p0 $0x108  }
0x21: {  	s3 =	sadd.s32 s3, s9;
	s6 =	sadd.s32 @!p0 $0x88, s6;
	s7 =	simm.s32 @p2 $0x1082  }
0x22: {  	[simem:s7], [sflag:s8] =	dma.local @!p0 [hbm:s6], $0xF7A  }
0x23: {  	s9 =	sor.u32 $0xD0000000, s2;
	s6 =	simm.s32 $0x108;
	_ =	swait.ge @!p0 [sflag:s8], $0x0  }
0x24: {  	s3 =	sadd.s32 $0x88, s3;
	s6 =	simm.s32 @!p1 $0x1082;
	[sflag:s4] =	ssyncset.s32 $0xFFFFF086  }
0x25: {  	[simem:s6], [sflag:s4] =	dma.local [hbm:s3], $0xF7A  }
0x26: {  	[smem:$0x3F9F] =	sst s1;
	(tag) =	ssettag s2;
	_ =	strace s9  }
0x27: {  	s1 =	sld [smem:$0x3FAF]  }
0x28: {  	s2 =	sld [smem:$0x3FB0]  }
0x29: {  	s4 =	sld [smem:$0x3FB2]  }
0x2a: {  	p0 =	seq.s32 s5, $0x0;
	s5 =	sld [smem:$0x3FB3]  }
0x2b: {  	s6 =	sld [smem:$0x3FB4]  }
0x2c: {  	s7 =	sld [smem:$0x3FB5]  }
0x2d: {  	s3 =	simm.s32 $0x108;
	s8 =	sld [smem:$0x3FB6]  }
0x2e: {  	s3 =	simm.s32 @!p0 $0x1082;
	s9 =	sld [smem:$0x3FB7]  }
0x2f: {  	lr =	sadd.s32 s0, s3;
	s0 =	sld [smem:$0x3FAE]  }
0x30: {  	s3 =	sld [smem:$0x3FB1]  }
0x31: {  	[smem:$0x3FBA] =	sst s10  }
0x32: {  	s10 =	sld [smem:$0x3FB8];
	_ =	sdelay $0x3  }
0x33: {  	p0 =	seq.s32 s10, $0x1;
	s10 =	sld [smem:$0x3FBA];
	_ =	sdelay $0x3  }
0x34: {  	[smem:$0x3FBA] =	sst s10  }
0x35: {  	s10 =	sld [smem:$0x3FB9];
	_ =	sdelay $0x3  }
0x36: {  	p1 =	seq.s32 s10, $0x1;
	s10 =	sld [smem:$0x3FBA];
	_ =	sdelay $0x3  }
0x37: {  	[smem:$0x3FBA] =	sst s10  }
0x38: {  	s10 =	sld [smem:$0x3FBB]  }
0x39: {  	_ = 	snop;
	(pc) =	sbr.ind lr, $3  }
0x3a: {  	_ = 	snop  }
0x3b: {  	_ = 	snop  }
0x3c: {  	p2 =	seq.s32 s10, $0x1;
	s10 =	sld [smem:$0x3FBA]  }
0x3d: {  	_ =	shalt  }
0x3e: {  	_ =	shalt  }
0x3f: {  	_ =	shalt  }
0x40: {  	_ =	shalt  }
0x41: {  	_ =	shalt  }
0x42: {  	_ =	shalt  }
0x43: {  	_ =	shalt  }
0x44: {  	_ =	shalt  }
0x45: {  	_ =	shalt  }
0x46: {  	_ =	shalt  }
0x47: {  	_ =	shalt  }
0x48: {  	_ =	shalt  }
0x49: {  	_ =	shalt  }
0x4a: {  	_ =	shalt  }
0x4b: {  	_ =	shalt  }
0x4c: {  	_ =	shalt  }
0x4d: {  	_ =	shalt  }
0x4e: {  	_ =	shalt  }
0x4f: {  	_ =	shalt  }
0x50: {  	_ =	shalt  }
0x51: {  	_ =	shalt  }
0x52: {  	_ =	shalt  }
0x53: {  	_ =	shalt  }
0x54: {  	_ =	shalt  }
0x55: {  	_ =	shalt  }
0x56: {  	_ =	shalt  }
0x57: {  	_ =	shalt  }
0x58: {  	_ =	shalt  }
0x59: {  	_ =	shalt  }
0x5a: {  	_ =	shalt  }
0x5b: {  	_ =	shalt  }
0x5c: {  	_ =	shalt  }
0x5d: {  	_ =	shalt  }
0x5e: {  	_ =	shalt  }
0x5f: {  	_ =	shalt  }
0x60: {  	_ =	shalt  }
0x61: {  	_ =	shalt  }
0x62: {  	_ =	shalt  }
0x63: {  	_ =	shalt  }
0x64: {  	_ =	shalt  }
0x65: {  	_ =	shalt  }
0x66: {  	_ =	shalt  }
0x67: {  	_ =	shalt  }
0x68: {  	_ =	shalt  }
0x69: {  	_ =	shalt  }
0x6a: {  	_ =	shalt  }
0x6b: {  	_ =	shalt  }
0x6c: {  	_ =	shalt  }
0x6d: {  	_ =	shalt  }
0x6e: {  	_ =	shalt  }
0x6f: {  	_ =	shalt  }
0x70: {  	_ =	shalt  }
0x71: {  	_ =	shalt  }
0x72: {  	_ =	shalt  }
0x73: {  	_ =	shalt  }
0x74: {  	_ =	shalt  }
0x75: {  	_ =	shalt  }
0x76: {  	_ =	shalt  }
0x77: {  	_ =	shalt  }
0x78: {  	_ =	shalt  }
0x79: {  	_ =	shalt  }
0x7a: {  	_ =	shalt  }
0x7b: {  	_ =	shalt  }
0x7c: {  	_ =	shalt  }
0x7d: {  	_ =	shalt  }
0x7e: {  	_ =	shalt  }
0x7f: {  	_ =	shalt  }
0x80: {  	_ =	shalt  }
0x81: {  	_ =	shalt  }
0x82: {  	_ =	shalt  }
0x83: {  	_ =	shalt  }
0x84: {  	_ =	shalt  }
0x85: {  	_ =	shalt  }
0x86: {  	_ =	shalt  }
0x87: {  	_ =	shalt  }
.Lfunc_end0:
.L_simem_size_0:
called_computation.1_lowered:
.L_overlay_start_0:
0x88: {  	s2 =	sld [smem:$0x3FD9]  }
0x89: {  	s3 =	sld [smem:$0x3FFE];
	_ =	sdelay $0x1  }
0x8a: {  	s1 =	srdreg.scid  }
0x8b: {  	s0 =	sand.u32 $0x1, s1  }
0x8c: {  	s17 =	sshll.u32 s0, $0xA;
	s2 =	sadd.s32 s3, s2  }
0x8d: {  	s2 =	sadd.s32 s2, s17  }
0x8e: {  	[smem:$0x3FC6] =	sst s2  }
0x8f: {  	_ = 	snop  }
0x90: {  	(tm) =	ssettm $0x1  }
0x91: {  	s18 =	sld [smem:$0x3FFB];
	_ =	sdelay $0x3  }
0x92: {  	_ =	strace s18  }
0x93: {  	s2 =	sld [smem:$0x3FFC];
	_ =	sdelay $0x3  }
0x94: {  	_ =	strace s2  }
0x95: {  	s2 =	sld [smem:$0x3FFD];
	_ =	sdelay $0x3  }
0x96: {  	_ =	strace s2  }
0x97: {  	_ =	strace $0x8FFFFFFF  }
0x98: {  	s19 =	sld [smem:$0x3FDB];
	_ =	sdelay $0x1  }
0x99: {  	s20 =	simm.s32 $_scs_section_size  }
0x9a: {  	s4 =	simm.s32 $_size__tile_overlayer_lowered;
	s5 =	simm.s32 $_tile_overlayer_lowered  }
0x9b: {  	s6 =	simm.s32 $0x1BFF;
	s21 =	sshll.u32 s5, $0x1;
	s3 =	sadd.s32 s20, s19  }
0x9c: {  	s22 =	simm.s32 $0x0;
	s4 =	sshll.u32 s4, $0x1;
	s5 =	sadd.s32 s21, s3  }
0x9d: {  	[timem:s22], [sflag:s6] =	dma.local [hbm:s5], s4  }
0x9e: {  	_ =	swait.ge [sflag:s6], s4  }
0x9f: {  	s4 =	ssub.s32 $0x0, s4;
	[sflag:s6] =	ssyncset.done $0x0  }
0xa0: {  	[sflag:s6] =	ssyncadd.s32 s4;
	_ =	sdelay $0x1  }
0xa1: {  	s23 =	simm.s32 $0x1B8B  }
0xa2: {  	_ =	swait.ge [sflag:s23], $0x1  }
0xa3: {  	[sflag:s23] =	ssyncset.done $0x0  }
0xa4: {  	[sflag:s23] =	ssyncadd.s32 $0xFFFFFFFF  }
0xa5: {  	s4 =	sld [smem:$0x0]  }
0xa6: {  	s5 =	sand.u32 $0xFFFFFFFE, s1  }
0xa7: {  	p0 =	sne.s32 s1, s5  }
0xa8: {  	s5 =	sshll.u32 @p0 s5, $0xE  }
0xa9: {  	s5 =	sadd.s32 @p0 $0x11B8D, s5;
	s6 =	sshll.u32 @p0 s4, $0x11  }
0xaa: {  	s5 =	sor.u32 @p0 s6, s5  }
0xab: {  	[sflag:s5] =	ssyncadd.remote.s32 @p0 $0x1;
	_ =	sdelay $0x1  }
0xac: {  	s5 =	simm.s32 @p0 $0x1B8D  }
0xad: {  	_ =	swait.eq @p0 [sflag:s5], $0x1  }
0xae: {  	[sflag:s5] =	ssyncadd.s32 @p0 $0xFFFFFFFF  }
0xaf: {  	s6 =	sshll.u32 @!p0 s1, $0xE  }
0xb0: {  	s6 =	sor.u32 @!p0 $0x4000, s6;
	s5 =	simm.s32 @!p0 $0x1B8D  }
0xb1: {  	s4 =	sshll.u32 @!p0 s4, $0x11;
	s6 =	sadd.s32 @!p0 $0x11B8D, s6;
	_ =	swait.eq @!p0 [sflag:s5], $0x1  }
0xb2: {  	s4 =	sor.u32 @!p0 s4, s6;
	[sflag:s5] =	ssyncadd.s32 @!p0 $0xFFFFFFFF  }
0xb3: {  	s25 =	simm.s32 $0x1B8E;
	s24 =	sld [smem:$0x3FFE];
	[sflag:s4] =	ssyncadd.remote.s32 @!p0 $0x1  }
0xb4: {  	s26 =	simm.s32 $execute0_lowered;
	[smem:$0x3FD2] =	sst s25  }
0xb5: {  	s5 =	sshll.u32 s26, $0x1;
	_ =	strace $0x80000049;
	[dreg:$0x1] =	wrdreg $0xFFFFFFFF  }
0xb6: {  	s28 =	simm.s32 $_size_execute0_lowered;
	s3 =	sadd.s32 s3, s5;
	[dreg:$0x0] =	wrdreg $0x0  }
0xb7: {  	s5 =	sshll.u32 s28, $0x1;
	[dreg:$0x2] =	wrdreg s3  }
0xb8: {  	[dreg:$0x3] =	wrdreg s5  }
0xb9: {  	[dreg:$0x4] =	wrdreg $0xC0  }
0xba: {  	_ =	task [dreg:s22], $0x5FFFF  }
0xbb: {  	[dreg:$0x1] =	wrdreg $0xFFFFFFFF  }
0xbc: {  	[dreg:$0x0] =	wrdreg $0x60  }
0xbd: {  	[dreg:$0x2] =	wrdreg s24  }
0xbe: {  	[dreg:$0x3] =	wrdreg $0xA  }
0xbf: {  	_ =	task.clear_ibuf [dreg:s22], $0x4FFFF;
	_ =	strace $0x90000049  }
0xc0: {  	s29 =	simm.s32 $0xA;
	_ =	strace $0x8000004B  }
0xc1: {  	_ =	swait.ge [sflag:s29], $0x1  }
0xc2: {  	[sflag:s29] =	ssyncadd.s32 $0xFFFFFFFF  }
0xc3: {  	_ =	strace $0x9000004B  }
0xc4: {  	_ =	sfence  }
0xc5: {  	s30 =	sld [smem:$0x0];
	_ =	sdelay $0x2  }
0xc6: {  	s31 =	sshll.u32 s1, $0xD;
	s1 =	sshrl.u32 s1, $0x2  }
0xc7: {  	s4 =	sand.u32 $0x4000, s31;
	s1 =	sadd.s32 s1, s30  }
0xc8: {  	s0 =	sor.u32 s4, s0;
	s1 =	sshll.u32 s1, $0x11  }
0xc9: {  	s0 =	sor.u32 s1, s0  }
0xca: {  	s0 =	sadd.s32 $0x8F2B, s0  }
0xcb: {  	[sflag:s0] =	ssyncadd.remote.s32 $0x1  }
0xcc: {  	_ =	sfence.sel $0xFFFF  }
0xcd: {  	[dreg:$0x0] =	wrdreg $0xFFFFFFFF;
	(pc) =	sbr.abs _section_cstart, $3  }
0xce: {  	[dreg:$0x1] =	wrdreg $0xFFFFFFFF  }
0xcf: {  	_ =	task.clear_ibuf [dreg:s22], $0x2FFFF;
	_ =	strace $0x9FFFFFFF  }
0xd0: {  	(tm) =	ssettm $0x7FFFFFFF  }
0xd1: {  	_ =	shalt  }
tec
execute0_lowered:
.L_overlay_start_1:
0x0: {  	(tag) =	ssettag $0x1  }
0x1: {  	s3 =	rddreg [dreg:$0x0]  }
0x2: {  	s0 =	rddreg [dreg:$0x1];
	s1 =	stileid.u32  }
0x3: {  	s2 =	simm.s32 $0x0;
	s5 =	srdreg.scid;
	s4 =	smul.u32 $0x5D00, s1  }
0x4: {  	[smem:$0x7FF] =	sst s2;
	s5 =	sand.u32 $0x1, s5;
	s6 =	smul.u32 $0x30, s1  }
0x5: {  	_ =	strace $0x8000004A;
	s7 =	ssub.s32 $0x2, s5;
	s8 =	smul.u32 $0x2E80, s5  }
0x6: {  	s5 =	smul.u32 $0x18, s5;
	s4 =	sadd.s32 s4, s3;
	s9 =	sshrl.u32 s7, $0x1  }
0x7: {  	s3 =	sadd.s32 $0x800, s3;
	s7 =	ssub.s32 s7, s9;
	s8 =	sadd.s32 s8, s4  }
0x8: {  	s5 =	sadd.s32 s5, s6;
	s9 =	simm.s32 $0x0;
	s4 =	smax.u32 s7, $0x1  }
0x9: {  	s6 =	sadd.s32 $0x11000, s8;
	s7 =	simm.s32 $0x1;
	s8 =	simm.s32 $0x2  }
.LBB2_1:
0xa: {  	s10 =	sadd.s32 $0x0, s5  }
0xb: {  	s11 =	sxor.u32 $0xFFFFFFFF, s10  }
0xc: {  	s12 =	sshll.u32 s11, $0x4  }
0xd: {  	s10 =	sshrl.u32 s10, $0x7;
	s12 =	sand.u32 $0x70, s12  }
0xe: {  	s10 =	sadd.s32 s12, s10  }
0xf: {  	s30 =	sadd.s32 $0x1, s5;
	s10 =	smul.u32 $0x1080, s10  }
0x10: {  	s14 =	sxor.u32 $0xFFFFFFFF, s30;
	s11 =	sand.u32 $0x7F, s11  }
0x11: {  	s13 =	sadd.s32 $0x2, s5;
	s31 =	sshll.u32 s14, $0x4;
	s10 =	sor.u32 s11, s10  }
0x12: {  	s12 =	sshrl.u32 s30, $0x7;
	s11 =	sand.u32 $0x70, s31;
	s10 =	sadd.s32 $0x6300, s10  }
0x13: {  	s14 =	sand.u32 $0x7F, s14;
	s11 =	sadd.s32 s11, s12;
	s10 =	sshrl.u32 s10, $0x3  }
0x14: {  	s12 =	simm.s32 $0x3;
	s11 =	smul.u32 $0x1080, s11;
	s10 =	sadd.s32 s3, s10  }
0x15: {  	[tilespmem:s2], [sflag:$0x1] =	stream.linear.gather [hbm4b:s10+s2], $0xF80, $0x38;
	[tilespmem:$0x17400] =	vst v63  }
0x16: {  	s10 =	sxor.u32 $0xFFFFFFFF, s13;
	s14 =	sor.u32 s14, s11;
	s11 =	simm.s32 $0x0  }
.LBB2_2:
0x17: {  	p0 =	sne.s32 s12, $0x17  }
0x18: {  	s15 =	sshll.u32 s10, $0x4;
	s14 =	sadd.s32 $0x6300, s14;
	s13 =	sshrl.u32 s13, $0x7  }
0x19: {  	s11 =	sadd.s32 $0xF80, s11;
	s15 =	sand.u32 $0x70, s15;
	s14 =	sshrl.u32 s14, $0x3  }
.Ltmp0:
0x1a: {  	s13 =	sadd.s32 s15, s13;
	s14 =	sadd.s32 s3, s14;
	(pc) =	sbr.rel @p0 .LBB2_2-.Ltmp0, $4  }
0x1b: {  	[tilespmem:s11], [sflag:$0x1] =	stream.linear.gather [hbm4b:s14+s2], $0xF80, $0x38;
	[tilespmem:$0x17400] =	vst v63  }
0x1c: {  	s14 =	smul.u32 $0x1080, s13  }
0x1d: {  	s15 =	sand.u32 $0x7F, s10;
	s13 =	sadd.s32 s12, s5  }
0x1e: {  	s12 =	sadd.s32 $0x1, s12;
	s10 =	sxor.u32 $0xFFFFFFFF, s13;
	s14 =	sor.u32 s15, s14  }
0x1f: {  	s12 =	sshll.u32 s10, $0x4  }
0x20: {  	s14 =	sadd.s32 $0x6300, s14;
	s13 =	sshrl.u32 s13, $0x7;
	s12 =	sand.u32 $0x70, s12  }
0x21: {  	s11 =	sadd.s32 $0xF80, s11;
	s14 =	sshrl.u32 s14, $0x3;
	s12 =	sadd.s32 s12, s13  }
0x22: {  	s31 =	sand.u32 $0x7F, s10;
	s30 =	sadd.s32 s3, s14;
	s12 =	smul.u32 $0x1080, s12  }
0x23: {  	[tilespmem:s11], [sflag:$0x1] =	stream.linear.gather [hbm4b:s30+s2], $0xF80, $0x38;
	[tilespmem:$0x17400] =	vst v63  }
0x24: {  	s10 =	sor.u32 s31, s12  }
0x25: {  	s10 =	sadd.s32 $0x6300, s10  }
0x26: {  	s10 =	sshrl.u32 s10, $0x3  }
0x27: {  	s11 =	sadd.s32 $0xF80, s11;
	s10 =	sadd.s32 s3, s10  }
0x28: {  	[tilespmem:s11], [sflag:$0x1] =	stream.linear.gather [hbm4b:s10+s2], $0xF80, $0x38;
	[tilespmem:$0x17400] =	vst v63  }
0x29: {  	_ =	swait.ge [sflag:s7], $0xF80  }
0x2a: {  	[sflag:s7] =	ssyncset.done $0x0  }
0x2b: {  	[sflag:s7] =	ssyncadd.s32 $0xFFFFF080  }
0x2c: {  	_ =	swait.ge [sflag:s7], $0xF80  }
0x2d: {  	[sflag:s7] =	ssyncset.done $0x0  }
0x2e: {  	[sflag:s7] =	ssyncadd.s32 $0xFFFFF080  }
0x2f: {  	_ =	swait.ge [sflag:s7], $0xF80  }
0x30: {  	[sflag:s7] =	ssyncset.done $0x0  }
0x31: {  	[sflag:s7] =	ssyncadd.s32 $0xFFFFF080  }
0x32: {  	_ =	swait.ge [sflag:s7], $0xF80  }
0x33: {  	[sflag:s7] =	ssyncset.done $0x0  }
0x34: {  	[sflag:s7] =	ssyncadd.s32 $0xFFFFF080  }
0x35: {  	_ =	swait.ge [sflag:s7], $0xF80  }
0x36: {  	[sflag:s7] =	ssyncset.done $0x0  }
0x37: {  	[sflag:s7] =	ssyncadd.s32 $0xFFFFF080  }
0x38: {  	_ =	swait.ge [sflag:s7], $0xF80  }
0x39: {  	[sflag:s7] =	ssyncset.done $0x0  }
0x3a: {  	[sflag:s7] =	ssyncadd.s32 $0xFFFFF080  }
0x3b: {  	_ =	swait.ge [sflag:s7], $0xF80  }
0x3c: {  	[sflag:s7] =	ssyncset.done $0x0  }
0x3d: {  	[sflag:s7] =	ssyncadd.s32 $0xFFFFF080  }
0x3e: {  	_ =	swait.ge [sflag:s7], $0xF80  }
0x3f: {  	[sflag:s7] =	ssyncset.done $0x0  }
0x40: {  	[sflag:s7] =	ssyncadd.s32 $0xFFFFF080  }
0x41: {  	_ =	swait.ge [sflag:s7], $0xF80  }
0x42: {  	[sflag:s7] =	ssyncset.done $0x0  }
0x43: {  	[sflag:s7] =	ssyncadd.s32 $0xFFFFF080  }
0x44: {  	_ =	swait.ge [sflag:s7], $0xF80  }
0x45: {  	[sflag:s7] =	ssyncset.done $0x0  }
0x46: {  	[sflag:s7] =	ssyncadd.s32 $0xFFFFF080  }
0x47: {  	_ =	swait.ge [sflag:s7], $0xF80  }
0x48: {  	[sflag:s7] =	ssyncset.done $0x0  }
0x49: {  	[sflag:s7] =	ssyncadd.s32 $0xFFFFF080  }
0x4a: {  	_ =	swait.ge [sflag:s7], $0xF80  }
0x4b: {  	[sflag:s7] =	ssyncset.done $0x0  }
0x4c: {  	[sflag:s7] =	ssyncadd.s32 $0xFFFFF080  }
0x4d: {  	_ =	swait.ge [sflag:s7], $0xF80  }
0x4e: {  	[sflag:s7] =	ssyncset.done $0x0  }
0x4f: {  	[sflag:s7] =	ssyncadd.s32 $0xFFFFF080  }
0x50: {  	_ =	swait.ge [sflag:s7], $0xF80  }
0x51: {  	[sflag:s7] =	ssyncset.done $0x0  }
0x52: {  	[sflag:s7] =	ssyncadd.s32 $0xFFFFF080  }
0x53: {  	_ =	swait.ge [sflag:s7], $0xF80  }
0x54: {  	[sflag:s7] =	ssyncset.done $0x0  }
0x55: {  	[sflag:s7] =	ssyncadd.s32 $0xFFFFF080  }
0x56: {  	_ =	swait.ge [sflag:s7], $0xF80  }
0x57: {  	[sflag:s7] =	ssyncset.done $0x0  }
0x58: {  	[sflag:s7] =	ssyncadd.s32 $0xFFFFF080  }
0x59: {  	_ =	swait.ge [sflag:s7], $0xF80  }
0x5a: {  	[sflag:s7] =	ssyncset.done $0x0  }
0x5b: {  	[sflag:s7] =	ssyncadd.s32 $0xFFFFF080  }
0x5c: {  	_ =	swait.ge [sflag:s7], $0xF80  }
0x5d: {  	[sflag:s7] =	ssyncset.done $0x0  }
0x5e: {  	[sflag:s7] =	ssyncadd.s32 $0xFFFFF080  }
0x5f: {  	_ =	swait.ge [sflag:s7], $0xF80  }
0x60: {  	[sflag:s7] =	ssyncset.done $0x0  }
0x61: {  	[sflag:s7] =	ssyncadd.s32 $0xFFFFF080  }
0x62: {  	_ =	swait.ge [sflag:s7], $0xF80  }
0x63: {  	[sflag:s7] =	ssyncset.done $0x0  }
0x64: {  	[sflag:s7] =	ssyncadd.s32 $0xFFFFF080  }
0x65: {  	_ =	swait.ge [sflag:s7], $0xF80  }
0x66: {  	[sflag:s7] =	ssyncset.done $0x0  }
0x67: {  	[sflag:s7] =	ssyncadd.s32 $0xFFFFF080  }
0x68: {  	_ =	swait.ge [sflag:s7], $0xF80  }
0x69: {  	[sflag:s7] =	ssyncset.done $0x0  }
0x6a: {  	[sflag:s7] =	ssyncadd.s32 $0xFFFFF080  }
0x6b: {  	_ =	swait.ge [sflag:s7], $0xF80  }
0x6c: {  	[sflag:s7] =	ssyncset.done $0x0  }
0x6d: {  	[sflag:s7] =	ssyncadd.s32 $0xFFFFF080  }
0x6e: {  	_ =	swait.ge [sflag:s7], $0xF80  }
0x6f: {  	s13 =	sadd.s32 $0x0, s6;
	s12 =	simm.s32 $0xF80;
	[sflag:s7] =	ssyncset.done $0x0  }
0x70: {  	s10 =	simm.s32 $0x0;
	s11 =	simm.s32 $0x1F0;
	[sflag:s7] =	ssyncadd.s32 $0xFFFFF080  }
.LBB2_4:
0x71: {  	[hbm4b:s13+s2] =	stream.linear.scatter [tilespmem:s10], [sflag:$0x2], $0xF80, $0x38;
	[tilespmem:$0x17400] =	vst v63  }
0x72: {  	s13 =	smov.u32 s11;
	s10 =	smov.u32 s12;
	p0 =	sne.s32 s11, $0x2C90  }
.Ltmp1:
0x73: {  	s11 =	sadd.s32 $0x1F0, s11;
	(pc) =	sbr.rel @p0 .LBB2_4-.Ltmp1, $2  }
0x74: {  	_ =	sdelay $0x2  }
0x75: {  	s12 =	sadd.s32 $0xF80, s12;
	s13 =	sadd.s32 s13, s6  }
0x76: {  	[hbm4b:s13+s2] =	stream.linear.scatter [tilespmem:s10], [sflag:$0x2], $0xF80, $0x38;
	[tilespmem:$0x17400] =	vst v63  }
0x77: {  	_ =	swait.ge [sflag:s8], $0xF80  }
0x78: {  	[sflag:s8] =	ssyncset.done $0x0  }
0x79: {  	[sflag:s8] =	ssyncadd.s32 $0xFFFFF080  }
0x7a: {  	_ =	swait.ge [sflag:s8], $0xF80  }
0x7b: {  	[sflag:s8] =	ssyncset.done $0x0  }
0x7c: {  	[sflag:s8] =	ssyncadd.s32 $0xFFFFF080  }
0x7d: {  	_ =	swait.ge [sflag:s8], $0xF80  }
0x7e: {  	[sflag:s8] =	ssyncset.done $0x0  }
0x7f: {  	[sflag:s8] =	ssyncadd.s32 $0xFFFFF080  }
0x80: {  	_ =	swait.ge [sflag:s8], $0xF80  }
0x81: {  	[sflag:s8] =	ssyncset.done $0x0  }
0x82: {  	[sflag:s8] =	ssyncadd.s32 $0xFFFFF080  }
0x83: {  	_ =	swait.ge [sflag:s8], $0xF80  }
0x84: {  	[sflag:s8] =	ssyncset.done $0x0  }
0x85: {  	[sflag:s8] =	ssyncadd.s32 $0xFFFFF080  }
0x86: {  	_ =	swait.ge [sflag:s8], $0xF80  }
0x87: {  	[sflag:s8] =	ssyncset.done $0x0  }
0x88: {  	[sflag:s8] =	ssyncadd.s32 $0xFFFFF080  }
0x89: {  	_ =	swait.ge [sflag:s8], $0xF80  }
0x8a: {  	[sflag:s8] =	ssyncset.done $0x0  }
0x8b: {  	[sflag:s8] =	ssyncadd.s32 $0xFFFFF080  }
0x8c: {  	_ =	swait.ge [sflag:s8], $0xF80  }
0x8d: {  	[sflag:s8] =	ssyncset.done $0x0  }
0x8e: {  	[sflag:s8] =	ssyncadd.s32 $0xFFFFF080  }
0x8f: {  	_ =	swait.ge [sflag:s8], $0xF80  }
0x90: {  	[sflag:s8] =	ssyncset.done $0x0  }
0x91: {  	[sflag:s8] =	ssyncadd.s32 $0xFFFFF080  }
0x92: {  	_ =	swait.ge [sflag:s8], $0xF80  }
0x93: {  	[sflag:s8] =	ssyncset.done $0x0  }
0x94: {  	[sflag:s8] =	ssyncadd.s32 $0xFFFFF080  }
0x95: {  	_ =	swait.ge [sflag:s8], $0xF80  }
0x96: {  	[sflag:s8] =	ssyncset.done $0x0  }
0x97: {  	[sflag:s8] =	ssyncadd.s32 $0xFFFFF080  }
0x98: {  	_ =	swait.ge [sflag:s8], $0xF80  }
0x99: {  	[sflag:s8] =	ssyncset.done $0x0  }
0x9a: {  	[sflag:s8] =	ssyncadd.s32 $0xFFFFF080  }
0x9b: {  	_ =	swait.ge [sflag:s8], $0xF80  }
0x9c: {  	[sflag:s8] =	ssyncset.done $0x0  }
0x9d: {  	[sflag:s8] =	ssyncadd.s32 $0xFFFFF080  }
0x9e: {  	_ =	swait.ge [sflag:s8], $0xF80  }
0x9f: {  	[sflag:s8] =	ssyncset.done $0x0  }
0xa0: {  	[sflag:s8] =	ssyncadd.s32 $0xFFFFF080  }
0xa1: {  	_ =	swait.ge [sflag:s8], $0xF80  }
0xa2: {  	[sflag:s8] =	ssyncset.done $0x0  }
0xa3: {  	[sflag:s8] =	ssyncadd.s32 $0xFFFFF080  }
0xa4: {  	_ =	swait.ge [sflag:s8], $0xF80  }
0xa5: {  	[sflag:s8] =	ssyncset.done $0x0  }
0xa6: {  	[sflag:s8] =	ssyncadd.s32 $0xFFFFF080  }
0xa7: {  	_ =	swait.ge [sflag:s8], $0xF80  }
0xa8: {  	[sflag:s8] =	ssyncset.done $0x0  }
0xa9: {  	[sflag:s8] =	ssyncadd.s32 $0xFFFFF080  }
0xaa: {  	_ =	swait.ge [sflag:s8], $0xF80  }
0xab: {  	[sflag:s8] =	ssyncset.done $0x0  }
0xac: {  	[sflag:s8] =	ssyncadd.s32 $0xFFFFF080  }
0xad: {  	_ =	swait.ge [sflag:s8], $0xF80  }
0xae: {  	[sflag:s8] =	ssyncset.done $0x0  }
0xaf: {  	[sflag:s8] =	ssyncadd.s32 $0xFFFFF080  }
0xb0: {  	_ =	swait.ge [sflag:s8], $0xF80  }
0xb1: {  	[sflag:s8] =	ssyncset.done $0x0  }
0xb2: {  	[sflag:s8] =	ssyncadd.s32 $0xFFFFF080  }
0xb3: {  	_ =	swait.ge [sflag:s8], $0xF80  }
0xb4: {  	[sflag:s8] =	ssyncset.done $0x0  }
0xb5: {  	[sflag:s8] =	ssyncadd.s32 $0xFFFFF080  }
0xb6: {  	_ =	swait.ge [sflag:s8], $0xF80  }
0xb7: {  	[sflag:s8] =	ssyncset.done $0x0  }
0xb8: {  	s9 =	sadd.s32 $0x1, s9;
	[sflag:s8] =	ssyncadd.s32 $0xFFFFF080  }
0xb9: {  	p0 =	sne.s32 s9, s4;
	_ =	swait.ge [sflag:s8], $0xF80  }
.Ltmp2:
0xba: {  	[sflag:s8] =	ssyncset.done $0x0;
	(pc) =	sbr.rel @p0 .LBB2_1-.Ltmp2, $4  }
0xbb: {  	[sflag:s8] =	ssyncadd.s32 $0xFFFFF080  }
0xbc: {  	_ =	swait.ge [sflag:s8], $0xF80  }
0xbd: {  	[sflag:s8] =	ssyncset.done $0x0  }
0xbe: {  	[sflag:s8] =	ssyncadd.s32 $0xFFFFF080  }
0xbf: {  	_ =	sfence.sel $0x180000  }
0xc0: {  	[bflag:$0x0] =	sbarrier.arrive $0xFFFF  }
0xc1: {  	p0 =	sne.s32 s1, $0x0;
	_ =	strace $0x9000004A  }
0xc2: {  	s0 =	sadd.s32 @!p0 $0x100000, s0;
	[bflag:$0x2] =	sbarrier.arrive $0xFFFF  }
0xc3: {  	[sflag:s0] =	ssyncadd.tile.s32 @!p0 $0x1;
	_ =	shalt  }
.Lfunc_end2:
_tile_overlayer_lowered:
.L_overlay_start_2:
0xc4: {  	(tag) =	ssettag $0x2  }
0xc5: {  	s0 =	rddreg [dreg:$0x0];
	s2 =	stileid.u32  }
0xc6: {  	s1 =	rddreg [dreg:$0x1];
	p0 =	sne.s32 s2, $0x0  }
0xc7: {  	s3 =	rddreg [dreg:$0x2];
	[bflag:$0x3] =	sbarrier.arrive $0xFFFF;
	s2 =	simm.s32 @!p0 $0x1C03  }
0xc8: {  	[timem:s3], [sflag:s2] =	dma.local @!p0 [hbm:s0], s1  }
0xc9: {  	s0 =	simm.s32 @!p0 $0x3  }
0xca: {  	_ =	swait.ge @!p0 [sflag:s0], s1  }
0xcb: {  	s1 =	ssub.s32 @!p0 $0x0, s1;
	[sflag:s0] =	ssyncset.done @!p0 $0x0  }
0xcc: {  	[sflag:s0] =	ssyncadd.s32 @!p0 s1  }
0xcd: {  	[bflag:$0x3] =	sbarrier.arrive $0xFFFF  }
0xce: {  	_ =	shalt  }

// kernel: kernel.7.cloned.1.call-start
scs
__scs_entry_jumppad:
0x0: {  	(pc) =	sbr.rel $0x88, $3  }
0x1: {  	(tag) =	ssettag $0x0;
	lr =	simm.s32 $0x1  }
0x2: {  	[smem:$0x3F9F] =	sst lr;
	_ =	strace $0xD0000000  }
0x3: {  	_ = 	snop  }
0x4: {  	_ = 	snop  }
0x5: {  	_ = 	snop  }
0x6: {  	_ = 	snop  }
0x7: {  	_ = 	snop  }
__scs_overlays_trampoline_lowered:
0x8: {  	[smem:$0x3FAE] =	sst s0  }
0x9: {  	[smem:$0x3FAF] =	sst s1  }
0xa: {  	[smem:$0x3FB0] =	sst s2  }
0xb: {  	[smem:$0x3FB1] =	sst s3  }
0xc: {  	[smem:$0x3FB2] =	sst s4  }
0xd: {  	[smem:$0x3FB3] =	sst s5  }
0xe: {  	[smem:$0x3FB4] =	sst s6  }
0xf: {  	[smem:$0x3FB5] =	sst s7  }
0x10: {  	[smem:$0x3FB6] =	sst s8  }
0x11: {  	[smem:$0x3FB7] =	sst s9;
	s0 =	simm.s32 @!p0 $0x0  }
0x12: {  	s1 =	sld [smem:$0x3F9D];
	s0 =	simm.s32 @p0 $0x1  }
0x13: {  	[smem:$0x3FB8] =	sst s0;
	s0 =	simm.s32 @!p1 $0x0  }
0x14: {  	s2 =	sld [smem:$0x3F9C];
	s0 =	simm.s32 @p1 $0x1  }
0x15: {  	[smem:$0x3FB9] =	sst s0;
	s0 =	simm.s32 @!p2 $0x0  }
0x16: {  	s3 =	sld [smem:$0x3FDB];
	s0 =	simm.s32 @p2 $0x1  }
0x17: {  	s4 =	simm.s32 $0x1BF5;
	[smem:$0x3FBB] =	sst s0  }
0x18: {  	s0 =	sld [smem:$0x3F9E];
	_ =	swait.ge [sflag:s4], $0x0  }
0x19: {  	s7 =	sld [smem:$0x3F9F]  }
0x1a: {  	s8 =	sadd.s32 $0xFFFFE003, lr  }
0x1b: {  	s9 =	sadd.s32 $0xFFFFFEF7, lr;
	s5 =	simm.s32 $0xFFFFFFFF;
	p2 =	slt.u32 s8, $0xFFFFF086  }
0x1c: {  	p1 =	slt.u32 s9, $0xF7A;
	s5 =	simm.s32 @!p2 $0x0  }
0x1d: {  	s5 =	simm.s32 @p1 $0x1;
	p0 =	seq.s32 s7, s2  }
0x1e: {  	s7 =	smul.u32 @!p0 $0xF7A, s2;
	p2 =	seq.s32 @!p0 s5, $0x0  }
0x1f: {  	s9 =	smul.u32 $0xF7A, s1;
	s8 =	simm.s32 @!p0 $0x1BF5;
	p2 =	por !p2, p0  }
0x20: {  	[sflag:s8] =	ssyncset.s32 @!p0 $0xFFFFF086;
	s6 =	sadd.s32 @!p0 s3, s7;
	s7 =	simm.s32 @!p0 $0x108  }
0x21: {  	s3 =	sadd.s32 s3, s9;
	s6 =	sadd.s32 @!p0 $0x88, s6;
	s7 =	simm.s32 @p2 $0x1082  }
0x22: {  	[simem:s7], [sflag:s8] =	dma.local @!p0 [hbm:s6], $0xF7A  }
0x23: {  	s9 =	sor.u32 $0xD0000000, s2;
	s6 =	simm.s32 $0x108;
	_ =	swait.ge @!p0 [sflag:s8], $0x0  }
0x24: {  	s3 =	sadd.s32 $0x88, s3;
	s6 =	simm.s32 @!p1 $0x1082;
	[sflag:s4] =	ssyncset.s32 $0xFFFFF086  }
0x25: {  	[simem:s6], [sflag:s4] =	dma.local [hbm:s3], $0xF7A  }
0x26: {  	[smem:$0x3F9F] =	sst s1;
	(tag) =	ssettag s2;
	_ =	strace s9  }
0x27: {  	s1 =	sld [smem:$0x3FAF]  }
0x28: {  	s2 =	sld [smem:$0x3FB0]  }
0x29: {  	s4 =	sld [smem:$0x3FB2]  }
0x2a: {  	p0 =	seq.s32 s5, $0x0;
	s5 =	sld [smem:$0x3FB3]  }
0x2b: {  	s6 =	sld [smem:$0x3FB4]  }
0x2c: {  	s7 =	sld [smem:$0x3FB5]  }
0x2d: {  	s3 =	simm.s32 $0x108;
	s8 =	sld [smem:$0x3FB6]  }
0x2e: {  	s3 =	simm.s32 @!p0 $0x1082;
	s9 =	sld [smem:$0x3FB7]  }
0x2f: {  	lr =	sadd.s32 s0, s3;
	s0 =	sld [smem:$0x3FAE]  }
0x30: {  	s3 =	sld [smem:$0x3FB1]  }
0x31: {  	[smem:$0x3FBA] =	sst s10  }
0x32: {  	s10 =	sld [smem:$0x3FB8];
	_ =	sdelay $0x3  }
0x33: {  	p0 =	seq.s32 s10, $0x1;
	s10 =	sld [smem:$0x3FBA];
	_ =	sdelay $0x3  }
0x34: {  	[smem:$0x3FBA] =	sst s10  }
0x35: {  	s10 =	sld [smem:$0x3FB9];
	_ =	sdelay $0x3  }
0x36: {  	p1 =	seq.s32 s10, $0x1;
	s10 =	sld [smem:$0x3FBA];
	_ =	sdelay $0x3  }
0x37: {  	[smem:$0x3FBA] =	sst s10  }
0x38: {  	s10 =	sld [smem:$0x3FBB]  }
0x39: {  	_ = 	snop;
	(pc) =	sbr.ind lr, $3  }
0x3a: {  	_ = 	snop  }
0x3b: {  	_ = 	snop  }
0x3c: {  	p2 =	seq.s32 s10, $0x1;
	s10 =	sld [smem:$0x3FBA]  }
0x3d: {  	_ =	shalt  }
0x3e: {  	_ =	shalt  }
0x3f: {  	_ =	shalt  }
0x40: {  	_ =	shalt  }
0x41: {  	_ =	shalt  }
0x42: {  	_ =	shalt  }
0x43: {  	_ =	shalt  }
0x44: {  	_ =	shalt  }
0x45: {  	_ =	shalt  }
0x46: {  	_ =	shalt  }
0x47: {  	_ =	shalt  }
0x48: {  	_ =	shalt  }
0x49: {  	_ =	shalt  }
0x4a: {  	_ =	shalt  }
0x4b: {  	_ =	shalt  }
0x4c: {  	_ =	shalt  }
0x4d: {  	_ =	shalt  }
0x4e: {  	_ =	shalt  }
0x4f: {  	_ =	shalt  }
0x50: {  	_ =	shalt  }
0x51: {  	_ =	shalt  }
0x52: {  	_ =	shalt  }
0x53: {  	_ =	shalt  }
0x54: {  	_ =	shalt  }
0x55: {  	_ =	shalt  }
0x56: {  	_ =	shalt  }
0x57: {  	_ =	shalt  }
0x58: {  	_ =	shalt  }
0x59: {  	_ =	shalt  }
0x5a: {  	_ =	shalt  }
0x5b: {  	_ =	shalt  }
0x5c: {  	_ =	shalt  }
0x5d: {  	_ =	shalt  }
0x5e: {  	_ =	shalt  }
0x5f: {  	_ =	shalt  }
0x60: {  	_ =	shalt  }
0x61: {  	_ =	shalt  }
0x62: {  	_ =	shalt  }
0x63: {  	_ =	shalt  }
0x64: {  	_ =	shalt  }
0x65: {  	_ =	shalt  }
0x66: {  	_ =	shalt  }
0x67: {  	_ =	shalt  }
0x68: {  	_ =	shalt  }
0x69: {  	_ =	shalt  }
0x6a: {  	_ =	shalt  }
0x6b: {  	_ =	shalt  }
0x6c: {  	_ =	shalt  }
0x6d: {  	_ =	shalt  }
0x6e: {  	_ =	shalt  }
0x6f: {  	_ =	shalt  }
0x70: {  	_ =	shalt  }
0x71: {  	_ =	shalt  }
0x72: {  	_ =	shalt  }
0x73: {  	_ =	shalt  }
0x74: {  	_ =	shalt  }
0x75: {  	_ =	shalt  }
0x76: {  	_ =	shalt  }
0x77: {  	_ =	shalt  }
0x78: {  	_ =	shalt  }
0x79: {  	_ =	shalt  }
0x7a: {  	_ =	shalt  }
0x7b: {  	_ =	shalt  }
0x7c: {  	_ =	shalt  }
0x7d: {  	_ =	shalt  }
0x7e: {  	_ =	shalt  }
0x7f: {  	_ =	shalt  }
0x80: {  	_ =	shalt  }
0x81: {  	_ =	shalt  }
0x82: {  	_ =	shalt  }
0x83: {  	_ =	shalt  }
0x84: {  	_ =	shalt  }
0x85: {  	_ =	shalt  }
0x86: {  	_ =	shalt  }
0x87: {  	_ =	shalt  }
.Lfunc_end0:
.L_simem_size_0:
called_computation_lowered:
.L_overlay_start_0:
0x88: {  	s2 =	sld [smem:$0x3FD9]  }
0x89: {  	s3 =	sld [smem:$0x3FFE];
	_ =	sdelay $0x1  }
0x8a: {  	s1 =	srdreg.scid  }
0x8b: {  	s0 =	sand.u32 $0x1, s1  }
0x8c: {  	s17 =	sshll.u32 s0, $0xA;
	s2 =	sadd.s32 s3, s2  }
0x8d: {  	s2 =	sadd.s32 s2, s17  }
0x8e: {  	[smem:$0x3FC6] =	sst s2  }
0x8f: {  	_ = 	snop  }
0x90: {  	s2 =	sld [smem:$0x3FD0];
	(tm) =	ssettm $0x1  }
0x91: {  	s18 =	sld [smem:$0x3FFB];
	_ =	sdelay $0x3  }
0x92: {  	_ =	strace s18  }
0x93: {  	s3 =	sld [smem:$0x3FFC];
	_ =	sdelay $0x3  }
0x94: {  	_ =	strace s3  }
0x95: {  	s3 =	sld [smem:$0x3FFD];
	_ =	sdelay $0x3  }
0x96: {  	_ =	strace s3  }
0x97: {  	_ =	strace $0x8FFFFFFF  }
0x98: {  	s19 =	sld [smem:$0x3FDB];
	_ =	sdelay $0x1  }
0x99: {  	s4 =	simm.s32 $_scs_section_size  }
0x9a: {  	s5 =	simm.s32 $_size__tile_overlayer_lowered;
	s6 =	simm.s32 $_tile_overlayer_lowered  }
0x9b: {  	s22 =	simm.s32 $0x1BFF;
	s21 =	sshll.u32 s6, $0x1;
	s3 =	sadd.s32 s4, s19  }
0x9c: {  	s7 =	simm.s32 $0x0;
	s20 =	sshll.u32 s5, $0x1;
	s5 =	sadd.s32 s21, s3  }
0x9d: {  	[timem:s7], [sflag:s22] =	dma.local [hbm:s5], s20  }
0x9e: {  	_ =	swait.ge [sflag:s22], s20  }
0x9f: {  	s4 =	ssub.s32 $0x0, s20;
	[sflag:s22] =	ssyncset.done $0x0  }
0xa0: {  	[sflag:s22] =	ssyncadd.s32 s4;
	_ =	sdelay $0x1  }
0xa1: {  	s23 =	simm.s32 $0x1B8B  }
0xa2: {  	_ =	swait.ge [sflag:s23], $0x1  }
0xa3: {  	[sflag:s23] =	ssyncset.done $0x0  }
0xa4: {  	s25 =	simm.s32 $0x1B8E;
	s24 =	sld [smem:$0x3FFE];
	[sflag:s23] =	ssyncadd.s32 $0xFFFFFFFF  }
0xa5: {  	s26 =	simm.s32 $execute0_lowered;
	[smem:$0x3FD2] =	sst s25  }
0xa6: {  	s5 =	sshll.u32 s26, $0x1;
	_ =	strace $0x80000046;
	[dreg:$0x1] =	wrdreg $0xFFFFFFFF  }
0xa7: {  	s28 =	simm.s32 $_size_execute0_lowered;
	s3 =	sadd.s32 s3, s5;
	[dreg:$0x0] =	wrdreg $0x0  }
0xa8: {  	s5 =	sshll.u32 s28, $0x1;
	[dreg:$0x2] =	wrdreg s3  }
0xa9: {  	[dreg:$0x3] =	wrdreg s5  }
0xaa: {  	[dreg:$0x4] =	wrdreg $0xC0  }
0xab: {  	_ =	task [dreg:s7], $0x5FFFF  }
0xac: {  	[dreg:$0x1] =	wrdreg $0xFFFFFFFF  }
0xad: {  	[dreg:$0x0] =	wrdreg $0x60  }
0xae: {  	[dreg:$0x2] =	wrdreg s24  }
0xaf: {  	[dreg:$0x3] =	wrdreg s2  }
0xb0: {  	[dreg:$0x4] =	wrdreg $0x9  }
0xb1: {  	_ =	task.clear_ibuf [dreg:s7], $0x5FFFF;
	_ =	strace $0x90000046  }
0xb2: {  	s29 =	simm.s32 $0x9;
	_ =	strace $0x80000048  }
0xb3: {  	_ =	swait.ge [sflag:s29], $0x1  }
0xb4: {  	[sflag:s29] =	ssyncadd.s32 $0xFFFFFFFF  }
0xb5: {  	_ =	strace $0x90000048  }
0xb6: {  	_ =	sfence  }
0xb7: {  	s30 =	sld [smem:$0x0];
	_ =	sdelay $0x2  }
0xb8: {  	s31 =	sshll.u32 s1, $0xD;
	s1 =	sshrl.u32 s1, $0x2  }
0xb9: {  	s3 =	sand.u32 $0x4000, s31;
	s1 =	sadd.s32 s1, s30  }
0xba: {  	s0 =	sor.u32 s3, s0;
	s1 =	sshll.u32 s1, $0x11  }
0xbb: {  	s0 =	sor.u32 s1, s0  }
0xbc: {  	s0 =	sadd.s32 $0x8F2B, s0  }
0xbd: {  	[sflag:s0] =	ssyncadd.remote.s32 $0x1  }
0xbe: {  	_ =	sfence.sel $0xFFFF  }
0xbf: {  	[dreg:$0x0] =	wrdreg $0xFFFFFFFF;
	(pc) =	sbr.abs _section_cstart, $3  }
0xc0: {  	[dreg:$0x1] =	wrdreg $0xFFFFFFFF  }
0xc1: {  	_ =	task.clear_ibuf [dreg:s7], $0x2FFFF;
	_ =	strace $0x9FFFFFFF  }
0xc2: {  	(tm) =	ssettm $0x7FFFFFFF  }
0xc3: {  	_ =	shalt  }
tec
execute0_lowered:
.L_overlay_start_1:
0x0: {  	(tag) =	ssettag $0x1  }
0x1: {  	s3 =	rddreg [dreg:$0x0]  }
0x2: {  	s1 =	srdreg.scid;
	s0 =	stileid.u32  }
0x3: {  	s4 =	rddreg [dreg:$0x1];
	s2 =	simm.s32 $0x0;
	s6 =	smul.u32 $0x30, s0  }
0x4: {  	s5 =	sand.u32 $0x1, s1;
	s1 =	rddreg [dreg:$0x2];
	s10 =	smul.u32 $0x5D00, s0  }
0x5: {  	[smem:$0x7FF] =	sst s2;
	s7 =	ssub.s32 $0x2, s5;
	s8 =	smul.u32 $0x18, s5  }
0x6: {  	s3 =	sadd.s32 $0x800, s3;
	s31 =	smul.u32 $0x2E80, s5;
	s9 =	sshrl.u32 s7, $0x1  }
0x7: {  	_ =	strace $0x80000047;
	s10 =	sadd.s32 s10, s4;
	s7 =	ssub.s32 s7, s9  }
0x8: {  	s5 =	sadd.s32 s8, s6;
	s6 =	sadd.s32 s31, s10;
	s8 =	simm.s32 $0x2  }
0x9: {  	s9 =	simm.s32 $0x0;
	s4 =	smax.u32 s7, $0x1;
	s7 =	simm.s32 $0x1  }
.LBB2_1:
0xa: {  	s10 =	sadd.s32 $0x0, s5  }
0xb: {  	s11 =	sxor.u32 $0xFFFFFFFF, s10  }
0xc: {  	s12 =	sshll.u32 s11, $0x4  }
0xd: {  	s10 =	sshrl.u32 s10, $0x7;
	s12 =	sand.u32 $0x70, s12  }
0xe: {  	s12 =	sadd.s32 s10, s12  }
0xf: {  	s14 =	sadd.s32 $0x1, s5;
	s13 =	smul.u32 $0x1080, s12  }
0x10: {  	s11 =	sand.u32 $0x78, s11;
	s10 =	sxor.u32 $0xFFFFFFFF, s14;
	s14 =	sshrl.u32 s14, $0x7  }
0x11: {  	s15 =	sshll.u32 s10, $0x4;
	s12 =	simm.s32 $0x2;
	s11 =	sor.u32 s11, s13  }
0x12: {  	s13 =	sand.u32 $0x70, s15;
	s15 =	sshrl.u32 s11, $0x3;
	s11 =	simm.s32 $0x0  }
.LBB2_2:
0x13: {  	s16 =	sadd.s32 s12, s5  }
0x14: {  	s13 =	sadd.s32 s14, s13;
	s14 =	sadd.s32 s3, s15;
	p0 =	sne.s32 s12, $0x17  }
0x15: {  	[tilespmem:s11], [sflag:$0x1] =	stream.linear.gather [hbm4b:s14+s2], $0xF80, $0x38;
	[tilespmem:$0x17400] =	vst v63  }
.Ltmp0:
0x16: {  	_ = 	snop;
	(pc) =	sbr.rel @p0 .LBB2_2-.Ltmp0, $4  }
0x17: {  	s13 =	smul.u32 $0x1080, s13;
	s14 =	smov.u32 s10;
	s10 =	sxor.u32 $0xFFFFFFFF, s16  }
0x18: {  	s12 =	sadd.s32 $0x1, s12;
	s14 =	sand.u32 $0x78, s14  }
0x19: {  	s11 =	sadd.s32 $0xF80, s11;
	s15 =	sshll.u32 s10, $0x4;
	s17 =	sor.u32 s14, s13  }
0x1a: {  	s13 =	sand.u32 $0x70, s15;
	s14 =	sshrl.u32 s16, $0x7;
	s15 =	sshrl.u32 s17, $0x3  }
0x1b: {  	s12 =	sadd.s32 s14, s13  }
0x1c: {  	s30 =	sadd.s32 s3, s15;
	s10 =	sand.u32 $0x78, s10;
	s12 =	smul.u32 $0x1080, s12  }
0x1d: {  	[tilespmem:s11], [sflag:$0x1] =	stream.linear.gather [hbm4b:s30+s2], $0xF80, $0x38;
	[tilespmem:$0x17400] =	vst v63  }
0x1e: {  	s10 =	sor.u32 s10, s12  }
0x1f: {  	s10 =	sshrl.u32 s10, $0x3  }
0x20: {  	s31 =	sadd.s32 $0xF80, s11;
	s10 =	sadd.s32 s3, s10  }
0x21: {  	[tilespmem:s31], [sflag:$0x1] =	stream.linear.gather [hbm4b:s10+s2], $0xF80, $0x38;
	[tilespmem:$0x17400] =	vst v63  }
0x22: {  	_ =	swait.ge [sflag:s7], $0xF80  }
0x23: {  	[sflag:s7] =	ssyncset.done $0x0  }
0x24: {  	[sflag:s7] =	ssyncadd.s32 $0xFFFFF080  }
0x25: {  	_ =	swait.ge [sflag:s7], $0xF80  }
0x26: {  	[sflag:s7] =	ssyncset.done $0x0  }
0x27: {  	[sflag:s7] =	ssyncadd.s32 $0xFFFFF080  }
0x28: {  	_ =	swait.ge [sflag:s7], $0xF80  }
0x29: {  	[sflag:s7] =	ssyncset.done $0x0  }
0x2a: {  	[sflag:s7] =	ssyncadd.s32 $0xFFFFF080  }
0x2b: {  	_ =	swait.ge [sflag:s7], $0xF80  }
0x2c: {  	[sflag:s7] =	ssyncset.done $0x0  }
0x2d: {  	[sflag:s7] =	ssyncadd.s32 $0xFFFFF080  }
0x2e: {  	_ =	swait.ge [sflag:s7], $0xF80  }
0x2f: {  	[sflag:s7] =	ssyncset.done $0x0  }
0x30: {  	[sflag:s7] =	ssyncadd.s32 $0xFFFFF080  }
0x31: {  	_ =	swait.ge [sflag:s7], $0xF80  }
0x32: {  	[sflag:s7] =	ssyncset.done $0x0  }
0x33: {  	[sflag:s7] =	ssyncadd.s32 $0xFFFFF080  }
0x34: {  	_ =	swait.ge [sflag:s7], $0xF80  }
0x35: {  	[sflag:s7] =	ssyncset.done $0x0  }
0x36: {  	[sflag:s7] =	ssyncadd.s32 $0xFFFFF080  }
0x37: {  	_ =	swait.ge [sflag:s7], $0xF80  }
0x38: {  	[sflag:s7] =	ssyncset.done $0x0  }
0x39: {  	[sflag:s7] =	ssyncadd.s32 $0xFFFFF080  }
0x3a: {  	_ =	swait.ge [sflag:s7], $0xF80  }
0x3b: {  	[sflag:s7] =	ssyncset.done $0x0  }
0x3c: {  	[sflag:s7] =	ssyncadd.s32 $0xFFFFF080  }
0x3d: {  	_ =	swait.ge [sflag:s7], $0xF80  }
0x3e: {  	[sflag:s7] =	ssyncset.done $0x0  }
0x3f: {  	[sflag:s7] =	ssyncadd.s32 $0xFFFFF080  }
0x40: {  	_ =	swait.ge [sflag:s7], $0xF80  }
0x41: {  	[sflag:s7] =	ssyncset.done $0x0  }
0x42: {  	[sflag:s7] =	ssyncadd.s32 $0xFFFFF080  }
0x43: {  	_ =	swait.ge [sflag:s7], $0xF80  }
0x44: {  	[sflag:s7] =	ssyncset.done $0x0  }
0x45: {  	[sflag:s7] =	ssyncadd.s32 $0xFFFFF080  }
0x46: {  	_ =	swait.ge [sflag:s7], $0xF80  }
0x47: {  	[sflag:s7] =	ssyncset.done $0x0  }
0x48: {  	[sflag:s7] =	ssyncadd.s32 $0xFFFFF080  }
0x49: {  	_ =	swait.ge [sflag:s7], $0xF80  }
0x4a: {  	[sflag:s7] =	ssyncset.done $0x0  }
0x4b: {  	[sflag:s7] =	ssyncadd.s32 $0xFFFFF080  }
0x4c: {  	_ =	swait.ge [sflag:s7], $0xF80  }
0x4d: {  	[sflag:s7] =	ssyncset.done $0x0  }
0x4e: {  	[sflag:s7] =	ssyncadd.s32 $0xFFFFF080  }
0x4f: {  	_ =	swait.ge [sflag:s7], $0xF80  }
0x50: {  	[sflag:s7] =	ssyncset.done $0x0  }
0x51: {  	[sflag:s7] =	ssyncadd.s32 $0xFFFFF080  }
0x52: {  	_ =	swait.ge [sflag:s7], $0xF80  }
0x53: {  	[sflag:s7] =	ssyncset.done $0x0  }
0x54: {  	[sflag:s7] =	ssyncadd.s32 $0xFFFFF080  }
0x55: {  	_ =	swait.ge [sflag:s7], $0xF80  }
0x56: {  	[sflag:s7] =	ssyncset.done $0x0  }
0x57: {  	[sflag:s7] =	ssyncadd.s32 $0xFFFFF080  }
0x58: {  	_ =	swait.ge [sflag:s7], $0xF80  }
0x59: {  	[sflag:s7] =	ssyncset.done $0x0  }
0x5a: {  	[sflag:s7] =	ssyncadd.s32 $0xFFFFF080  }
0x5b: {  	_ =	swait.ge [sflag:s7], $0xF80  }
0x5c: {  	[sflag:s7] =	ssyncset.done $0x0  }
0x5d: {  	[sflag:s7] =	ssyncadd.s32 $0xFFFFF080  }
0x5e: {  	_ =	swait.ge [sflag:s7], $0xF80  }
0x5f: {  	[sflag:s7] =	ssyncset.done $0x0  }
0x60: {  	[sflag:s7] =	ssyncadd.s32 $0xFFFFF080  }
0x61: {  	_ =	swait.ge [sflag:s7], $0xF80  }
0x62: {  	[sflag:s7] =	ssyncset.done $0x0  }
0x63: {  	[sflag:s7] =	ssyncadd.s32 $0xFFFFF080  }
0x64: {  	_ =	swait.ge [sflag:s7], $0xF80  }
0x65: {  	[sflag:s7] =	ssyncset.done $0x0  }
0x66: {  	[sflag:s7] =	ssyncadd.s32 $0xFFFFF080  }
0x67: {  	_ =	swait.ge [sflag:s7], $0xF80  }
0x68: {  	s13 =	sadd.s32 $0x0, s6;
	s11 =	simm.s32 $0x1F0;
	[sflag:s7] =	ssyncset.done $0x0  }
0x69: {  	s12 =	simm.s32 $0xF80;
	s10 =	simm.s32 $0x0;
	[sflag:s7] =	ssyncadd.s32 $0xFFFFF080  }
.LBB2_4:
0x6a: {  	[hbm4b:s13+s2] =	stream.linear.scatter [tilespmem:s10], [sflag:$0x2], $0xF80, $0x38;
	[tilespmem:$0x17400] =	vst v63  }
0x6b: {  	s13 =	smov.u32 s11;
	s10 =	smov.u32 s12;
	p0 =	sne.s32 s11, $0x2C90  }
.Ltmp1:
0x6c: {  	s11 =	sadd.s32 $0x1F0, s11;
	(pc) =	sbr.rel @p0 .LBB2_4-.Ltmp1, $2  }
0x6d: {  	_ =	sdelay $0x2  }
0x6e: {  	s12 =	sadd.s32 $0xF80, s12;
	s13 =	sadd.s32 s13, s6  }
0x6f: {  	[hbm4b:s13+s2] =	stream.linear.scatter [tilespmem:s10], [sflag:$0x2], $0xF80, $0x38;
	[tilespmem:$0x17400] =	vst v63  }
0x70: {  	_ =	swait.ge [sflag:s8], $0xF80  }
0x71: {  	[sflag:s8] =	ssyncset.done $0x0  }
0x72: {  	[sflag:s8] =	ssyncadd.s32 $0xFFFFF080  }
0x73: {  	_ =	swait.ge [sflag:s8], $0xF80  }
0x74: {  	[sflag:s8] =	ssyncset.done $0x0  }
0x75: {  	[sflag:s8] =	ssyncadd.s32 $0xFFFFF080  }
0x76: {  	_ =	swait.ge [sflag:s8], $0xF80  }
0x77: {  	[sflag:s8] =	ssyncset.done $0x0  }
0x78: {  	[sflag:s8] =	ssyncadd.s32 $0xFFFFF080  }
0x79: {  	_ =	swait.ge [sflag:s8], $0xF80  }
0x7a: {  	[sflag:s8] =	ssyncset.done $0x0  }
0x7b: {  	[sflag:s8] =	ssyncadd.s32 $0xFFFFF080  }
0x7c: {  	_ =	swait.ge [sflag:s8], $0xF80  }
0x7d: {  	[sflag:s8] =	ssyncset.done $0x0  }
0x7e: {  	[sflag:s8] =	ssyncadd.s32 $0xFFFFF080  }
0x7f: {  	_ =	swait.ge [sflag:s8], $0xF80  }
0x80: {  	[sflag:s8] =	ssyncset.done $0x0  }
0x81: {  	[sflag:s8] =	ssyncadd.s32 $0xFFFFF080  }
0x82: {  	_ =	swait.ge [sflag:s8], $0xF80  }
0x83: {  	[sflag:s8] =	ssyncset.done $0x0  }
0x84: {  	[sflag:s8] =	ssyncadd.s32 $0xFFFFF080  }
0x85: {  	_ =	swait.ge [sflag:s8], $0xF80  }
0x86: {  	[sflag:s8] =	ssyncset.done $0x0  }
0x87: {  	[sflag:s8] =	ssyncadd.s32 $0xFFFFF080  }
0x88: {  	_ =	swait.ge [sflag:s8], $0xF80  }
0x89: {  	[sflag:s8] =	ssyncset.done $0x0  }
0x8a: {  	[sflag:s8] =	ssyncadd.s32 $0xFFFFF080  }
0x8b: {  	_ =	swait.ge [sflag:s8], $0xF80  }
0x8c: {  	[sflag:s8] =	ssyncset.done $0x0  }
0x8d: {  	[sflag:s8] =	ssyncadd.s32 $0xFFFFF080  }
0x8e: {  	_ =	swait.ge [sflag:s8], $0xF80  }
0x8f: {  	[sflag:s8] =	ssyncset.done $0x0  }
0x90: {  	[sflag:s8] =	ssyncadd.s32 $0xFFFFF080  }
0x91: {  	_ =	swait.ge [sflag:s8], $0xF80  }
0x92: {  	[sflag:s8] =	ssyncset.done $0x0  }
0x93: {  	[sflag:s8] =	ssyncadd.s32 $0xFFFFF080  }
0x94: {  	_ =	swait.ge [sflag:s8], $0xF80  }
0x95: {  	[sflag:s8] =	ssyncset.done $0x0  }
0x96: {  	[sflag:s8] =	ssyncadd.s32 $0xFFFFF080  }
0x97: {  	_ =	swait.ge [sflag:s8], $0xF80  }
0x98: {  	[sflag:s8] =	ssyncset.done $0x0  }
0x99: {  	[sflag:s8] =	ssyncadd.s32 $0xFFFFF080  }
0x9a: {  	_ =	swait.ge [sflag:s8], $0xF80  }
0x9b: {  	[sflag:s8] =	ssyncset.done $0x0  }
0x9c: {  	[sflag:s8] =	ssyncadd.s32 $0xFFFFF080  }
0x9d: {  	_ =	swait.ge [sflag:s8], $0xF80  }
0x9e: {  	[sflag:s8] =	ssyncset.done $0x0  }
0x9f: {  	[sflag:s8] =	ssyncadd.s32 $0xFFFFF080  }
0xa0: {  	_ =	swait.ge [sflag:s8], $0xF80  }
0xa1: {  	[sflag:s8] =	ssyncset.done $0x0  }
0xa2: {  	[sflag:s8] =	ssyncadd.s32 $0xFFFFF080  }
0xa3: {  	_ =	swait.ge [sflag:s8], $0xF80  }
0xa4: {  	[sflag:s8] =	ssyncset.done $0x0  }
0xa5: {  	[sflag:s8] =	ssyncadd.s32 $0xFFFFF080  }
0xa6: {  	_ =	swait.ge [sflag:s8], $0xF80  }
0xa7: {  	[sflag:s8] =	ssyncset.done $0x0  }
0xa8: {  	[sflag:s8] =	ssyncadd.s32 $0xFFFFF080  }
0xa9: {  	_ =	swait.ge [sflag:s8], $0xF80  }
0xaa: {  	[sflag:s8] =	ssyncset.done $0x0  }
0xab: {  	[sflag:s8] =	ssyncadd.s32 $0xFFFFF080  }
0xac: {  	_ =	swait.ge [sflag:s8], $0xF80  }
0xad: {  	[sflag:s8] =	ssyncset.done $0x0  }
0xae: {  	[sflag:s8] =	ssyncadd.s32 $0xFFFFF080  }
0xaf: {  	_ =	swait.ge [sflag:s8], $0xF80  }
0xb0: {  	[sflag:s8] =	ssyncset.done $0x0  }
0xb1: {  	s9 =	sadd.s32 $0x1, s9;
	[sflag:s8] =	ssyncadd.s32 $0xFFFFF080  }
0xb2: {  	p0 =	sne.s32 s9, s4;
	_ =	swait.ge [sflag:s8], $0xF80  }
.Ltmp2:
0xb3: {  	[sflag:s8] =	ssyncset.done $0x0;
	(pc) =	sbr.rel @p0 .LBB2_1-.Ltmp2, $4  }
0xb4: {  	[sflag:s8] =	ssyncadd.s32 $0xFFFFF080  }
0xb5: {  	_ =	swait.ge [sflag:s8], $0xF80  }
0xb6: {  	[sflag:s8] =	ssyncset.done $0x0  }
0xb7: {  	[sflag:s8] =	ssyncadd.s32 $0xFFFFF080  }
0xb8: {  	_ =	sfence.sel $0x180000  }
0xb9: {  	[bflag:$0x0] =	sbarrier.arrive $0xFFFF  }
0xba: {  	p0 =	sne.s32 s0, $0x0;
	_ =	strace $0x90000047  }
0xbb: {  	s0 =	sadd.s32 @!p0 $0x100000, s1;
	[bflag:$0x2] =	sbarrier.arrive $0xFFFF  }
0xbc: {  	[sflag:s0] =	ssyncadd.tile.s32 @!p0 $0x1;
	_ =	shalt  }
.Lfunc_end2:
_tile_overlayer_lowered:
.L_overlay_start_2:
0xbd: {  	(tag) =	ssettag $0x2  }
0xbe: {  	s0 =	rddreg [dreg:$0x0];
	s2 =	stileid.u32  }
0xbf: {  	s1 =	rddreg [dreg:$0x1];
	p0 =	sne.s32 s2, $0x0  }
0xc0: {  	s3 =	rddreg [dreg:$0x2];
	[bflag:$0x3] =	sbarrier.arrive $0xFFFF;
	s2 =	simm.s32 @!p0 $0x1C03  }
0xc1: {  	[timem:s3], [sflag:s2] =	dma.local @!p0 [hbm:s0], s1  }
0xc2: {  	s0 =	simm.s32 @!p0 $0x3  }
0xc3: {  	_ =	swait.ge @!p0 [sflag:s0], s1  }
0xc4: {  	s1 =	ssub.s32 @!p0 $0x0, s1;
	[sflag:s0] =	ssyncset.done @!p0 $0x0  }
0xc5: {  	[sflag:s0] =	ssyncadd.s32 @!p0 s1  }
0xc6: {  	[bflag:$0x3] =	sbarrier.arrive $0xFFFF  }
0xc7: {  	_ =	shalt  }

</sc_bundles>
